<compile_context>
chip_gen: v7x
topology: tpu7x:2x2x1
jax: 0.10.2.dev20260603
libtpu: 0.0.44.dev20260713+nightly
codegen_flags: <defaults>
</compile_context>

<pallas_src>
import functools

import jax
import jax.numpy as jnp
from jax import lax
from jax.experimental import pallas as pl
from jax.experimental.pallas import tpu as pltpu
from jax.experimental.pallas import tpu_sc as plsc

N = 10000
E = 320000
D = 128
H = 128
C = 16

NC = 2
NS = 16
NW = NC * NS

DA = D + 16
K = 128
NBUF = 4
CHUNKS = NBUF * (-(-E // (NW * K * NBUF)))
E_PER_W = CHUNKS * K
E_PAD = E_PER_W * NW
N_PAD = 10240
ROWS_PER_TILE = N_PAD // NS
PASSES = CHUNKS // NBUF

_MESH = plsc.VectorSubcoreMesh(
    core_axis_name="c", subcore_axis_name="s", num_cores=NC, num_subcores=NS)


@functools.partial(
    pl.kernel,
    out_type=jax.ShapeDtypeStruct((NC, N_PAD, DA), jnp.float32),
    mesh=_MESH,
    scratch_types=[
        pltpu.VMEM((K, DA), jnp.float32),
        pltpu.VMEM((K, DA), jnp.float32),
        [pltpu.VMEM((K,), jnp.int32) for _ in range(4)],
        [pltpu.VMEM((K,), jnp.int32) for _ in range(4)],
        pltpu.VMEM_SHARED((N_PAD, DA), jnp.float32),
        [pltpu.SemaphoreType.DMA for _ in range(2)],
        [pltpu.SemaphoreType.DMA for _ in range(4)],
    ],
    compiler_params=pltpu.CompilerParams(use_tc_tiling_on_sc=False),
)
def _sc_aggregate(x_hbm, src_hbm, dst_hbm, zeros_hbm, out_hbm,
                  rows0, rows1, sidx, didx, accum, gsem, isem):
    rows = (rows0, rows1)
    cid = lax.axis_index("c")
    sid = lax.axis_index("s")
    wid = sid * NC + cid

    zr0 = sid * ROWS_PER_TILE
    pltpu.sync_copy(zeros_hbm.at[pl.ds(zr0, ROWS_PER_TILE)],
                    accum.at[pl.ds(zr0, ROWS_PER_TILE)])
    plsc.subcore_barrier()

    cbase = wid * CHUNKS
    last = CHUNKS - 1

    def start_idx_load(c, q):
        pltpu.async_copy(src_hbm.at[cbase + c], sidx[q], isem[q])
        pltpu.async_copy(dst_hbm.at[cbase + c], didx[q], isem[q])

    def wait_idx(q):
        pltpu.make_async_copy(src_hbm.at[cbase], sidx[q], isem[q]).wait()
        pltpu.make_async_copy(dst_hbm.at[cbase], didx[q], isem[q]).wait()

    def start_gather(c_q, b):
        del c_q
        pltpu.async_copy(x_hbm.at[pl.ds(0, K)], rows[b], gsem[b])

    def wait_gather(b):
        pltpu.make_async_copy(x_hbm.at[sidx[0]], rows[b], gsem[b]).wait()

    for q in range(4):
        start_idx_load(q, q)
    wait_idx(0)
    start_gather(0, 0)
    wait_idx(1)
    start_gather(1, 1)

    def slot(c, b, q, q2):
        wait_gather(b)
        wait_idx(q2)
        start_gather(q2, b)
        start_idx_load(jnp.minimum(c + 4, last), q)

    def body(i, carry):
        c0 = i * 4
        for j in range(4):
            slot(c0 + j, j % 2, j, (j + 2) % 4)
        return carry

    lax.fori_loop(0, CHUNKS // 4, body, 0)
    wait_idx(2)
    wait_idx(3)
    wait_gather(0)
    wait_gather(1)
    plsc.subcore_barrier()

    r0 = sid * ROWS_PER_TILE
    pltpu.sync_copy(accum.at[pl.ds(r0, ROWS_PER_TILE)],
                    out_hbm.at[cid, pl.ds(r0, ROWS_PER_TILE)])


R = 512
GRID = N_PAD // R


def _tc_body(x_ref, p_ref, ws_ref, wn_ref, bs_ref, wf_ref, bf_ref, o_ref):
    pb = p_ref[...]
    s = pb.sum(axis=0)
    summed = s[:, :D]
    deg = s[:, D:D + 1]
    h_neigh = summed * (1.0 / jnp.maximum(deg, 1.0))
    xb = x_ref[...][:, :D]
    h = jnp.dot(xb, ws_ref[...], preferred_element_type=jnp.float32)
    h = h + jnp.dot(h_neigh, wn_ref[...], preferred_element_type=jnp.float32)
    h = jnp.maximum(h + bs_ref[...], 0.0)
    o = jnp.dot(h, wf_ref[...], preferred_element_type=jnp.float32) + bf_ref[...]
    o_ref[...] = jax.nn.sigmoid(o)


def _tc_dense(x_aug, partials, W_self, W_neigh, b_sage, W_fc, b_fc):
    return pl.pallas_call(
        _tc_body,
        grid=(GRID,),
        in_specs=[
            pl.BlockSpec((R, DA), lambda i: (i, 0)),
            pl.BlockSpec((NC, R, DA), lambda i: (0, i, 0)),
            pl.BlockSpec((D, H), lambda i: (0, 0)),
            pl.BlockSpec((D, H), lambda i: (0, 0)),
            pl.BlockSpec((1, H), lambda i: (0, 0)),
            pl.BlockSpec((H, C), lambda i: (0, 0)),
            pl.BlockSpec((1, C), lambda i: (0, 0)),
        ],
        out_specs=pl.BlockSpec((R, C), lambda i: (i, 0)),
        out_shape=jax.ShapeDtypeStruct((N_PAD, C), jnp.float32),
    )(x_aug, partials, W_self, W_neigh, b_sage, W_fc, b_fc)


def kernel(in_feat, edge_index, W_self, W_neigh, b_sage, W_fc, b_fc):
    f32 = jnp.float32
    x_aug = jnp.concatenate(
        [in_feat,
         jnp.ones((N, 1), f32),
         jnp.zeros((N, DA - D - 1), f32)], axis=1)
    x_aug = jnp.concatenate([x_aug, jnp.zeros((N_PAD - N, DA), f32)], axis=0)

    pad = E_PAD - E
    src = jnp.concatenate(
        [edge_index[0], jnp.zeros((pad,), jnp.int32)]).reshape(-1, K)
    dst = jnp.concatenate(
        [edge_index[1], jnp.full((pad,), N, jnp.int32)]).reshape(-1, K)
    zeros = jnp.zeros((N_PAD, DA), f32)

    partials = _sc_aggregate(x_aug, src, dst, zeros)
    out = _tc_dense(x_aug, partials, W_self, W_neigh,
                    b_sage.reshape(1, H), W_fc, b_fc.reshape(1, C))
    return out[:N]

# --- scband reference (transcript-rebuilt; emitter-appended) ---
"""Pipeline reference for scband-sage-53266184405049 (READ-ONLY COPY).

The authoritative reference and input builder live on the scoring server;
editing this copy changes nothing except your own understanding.
"""

import jax, jax.numpy as jnp
import numpy as np

N = 10000
E = 320000
D = 128
H = 128
C = 16

def setup_inputs(seed: int = 0) -> dict:
    key = jax.random.key(seed)
    k1, k2, k3, k4, k5, k6, k7 = jax.random.split(key, 7)
    x = jax.random.normal(k1, (N, D), dtype=jnp.float32)
    edge_index = jax.random.randint(k2, (2, E), 0, N, dtype=jnp.int32)
    # SAGEConv(mean) parameters: self and neighbor linear transforms + bias
    W_self = jax.random.normal(k3, (D, H), dtype=jnp.float32) * (1.0 / np.sqrt(D))
    W_neigh = jax.random.normal(k4, (D, H), dtype=jnp.float32) * (1.0 / np.sqrt(D))
    b_sage = jnp.zeros((H,), dtype=jnp.float32)
    # final fc: h_feats -> num_classes
    W_fc = jax.random.normal(k5, (H, C), dtype=jnp.float32) * (1.0 / np.sqrt(H))
    b_fc = jnp.zeros((C,), dtype=jnp.float32)
    return {"in_feat": x, "edge_index": edge_index, "W_self": W_self,
            "W_neigh": W_neigh, "b_sage": b_sage, "W_fc": W_fc, "b_fc": b_fc}

def reference(in_feat, edge_index, W_self, W_neigh, b_sage, W_fc, b_fc):
    src = edge_index[0]
    dst = edge_index[1]
    # gather source node features along edges (message passing)
    msgs = jnp.take(in_feat, src, axis=0)
    # mean aggregation at destination nodes
    summed = jax.ops.segment_sum(msgs, dst, num_segments=N)
    deg = jax.ops.segment_sum(jnp.ones((E,), dtype=in_feat.dtype), dst, num_segments=N)
    h_neigh = summed / jnp.clip(deg, 1.0, None)[:, None]
    # SAGEConv(mean): fc_self(h_self) + fc_neigh(h_neigh) + bias
    h = in_feat @ W_self + h_neigh @ W_neigh + b_sage
    h = jax.nn.relu(h)
    out = jax.nn.sigmoid(h @ W_fc + b_fc)
    return out

if __name__ == "__main__":
    import jax
    _d = setup_inputs()
    print(jax.jit(kernel)(*tuple(_d.values())))

</pallas_src>

<mosaic_0001>
#map = affine_map<(d0, d1) -> (0, 0)>
#map1 = affine_map<(d0, d1) -> (0, 0, 0)>
module attributes {stable_mosaic.version = 14 : i64} {
  func.func @_sc_aggregate(%arg0: i32, %arg1: i32, %arg2: memref<10240x144xf32, #tpu.memory_space<hbm>>, %arg3: memref<2560x128xi32, #tpu.memory_space<hbm>>, %arg4: memref<2560x128xi32, #tpu.memory_space<hbm>>, %arg5: memref<10240x144xf32, #tpu.memory_space<hbm>>, %arg6: memref<2x10240x144xf32, #tpu.memory_space<hbm>>, %arg7: memref<128x144xf32, #tpu.memory_space<vmem>>, %arg8: memref<128x144xf32, #tpu.memory_space<vmem>>, %arg9: memref<128xi32, #tpu.memory_space<vmem>>, %arg10: memref<128xi32, #tpu.memory_space<vmem>>, %arg11: memref<128xi32, #tpu.memory_space<vmem>>, %arg12: memref<128xi32, #tpu.memory_space<vmem>>, %arg13: memref<128xi32, #tpu.memory_space<vmem>>, %arg14: memref<128xi32, #tpu.memory_space<vmem>>, %arg15: memref<128xi32, #tpu.memory_space<vmem>>, %arg16: memref<128xi32, #tpu.memory_space<vmem>>, %arg17: memref<10240x144xf32, #tpu.memory_space<vmem_shared>>, %arg18: memref<!tpu.dma_semaphore, #tpu.memory_space<semaphore_mem>>, %arg19: memref<!tpu.dma_semaphore, #tpu.memory_space<semaphore_mem>>, %arg20: memref<!tpu.dma_semaphore, #tpu.memory_space<semaphore_mem>>, %arg21: memref<!tpu.dma_semaphore, #tpu.memory_space<semaphore_mem>>, %arg22: memref<!tpu.dma_semaphore, #tpu.memory_space<semaphore_mem>>, %arg23: memref<!tpu.dma_semaphore, #tpu.memory_space<semaphore_mem>>) attributes {dimension_semantics = [#tpu.dimension_semantics<core_parallel>, #tpu.dimension_semantics<subcore_parallel>], iteration_bounds = array<i64: 2, 16>, scalar_prefetch = 0 : i64, scratch_operands = 17 : i64, tpu.core_type = #tpu.core_type<sc_vector_subcore>, window_params = [{transform_indices = #map}, {transform_indices = #map}, {transform_indices = #map}, {transform_indices = #map}, {transform_indices = #map1}]} {
    %mul3A = arith.constant 2 : i32
    %mul3A_0 = arith.muli %arg1, %mul3A : i32
    %add3A = arith.addi %mul3A_0, %arg0 : i32
    %mul3A_1 = arith.constant 640 : i32
    %mul3A_2 = arith.muli %arg1, %mul3A_1 : i32
    "tpu.region"() ({
      %run_scoped3A = tpu.sem_alloc : memref<!tpu.dma_semaphore, #tpu.memory_space<semaphore_mem>>
      %dma_start3A_141 = arith.constant 0 : i32
      %dma_start3A_142 = tpu.memref_slice %arg17[%mul3A_2, %dma_start3A_141] : memref<10240x144xf32, #tpu.memory_space<vmem_shared>> -> memref<640x144xf32, #tpu.memory_space<vmem_shared>>
      %dma_start3A_143 = arith.constant 0 : i32
      %dma_start3A_144 = tpu.memref_slice %arg5[%mul3A_2, %dma_start3A_143] : memref<10240x144xf32, #tpu.memory_space<hbm>> -> memref<640x144xf32, #tpu.memory_space<hbm>>
      tpu.enqueue_dma source(%dma_start3A_144 : memref<640x144xf32, #tpu.memory_space<hbm>>) target(%dma_start3A_142 : memref<640x144xf32, #tpu.memory_space<vmem_shared>>) target_semaphore(%run_scoped3A : memref<!tpu.dma_semaphore, #tpu.memory_space<semaphore_mem>>)
      %dma_wait3A_145 = arith.constant 0 : i32
      %dma_wait3A_146 = tpu.memref_slice %arg17[%mul3A_2, %dma_wait3A_145] : memref<10240x144xf32, #tpu.memory_space<vmem_shared>> -> memref<640x144xf32, #tpu.memory_space<vmem_shared>>
      %dma_wait3A_147 = arith.constant 0 : i32
      %dma_wait3A_148 = tpu.memref_slice %arg5[%mul3A_2, %dma_wait3A_147] : memref<10240x144xf32, #tpu.memory_space<hbm>> -> memref<640x144xf32, #tpu.memory_space<hbm>>
      tpu.wait_dma2 semaphore(%run_scoped3A : memref<!tpu.dma_semaphore, #tpu.memory_space<semaphore_mem>>) src(%dma_wait3A_148 : memref<640x144xf32, #tpu.memory_space<hbm>>) dst(%dma_wait3A_146 : memref<640x144xf32, #tpu.memory_space<vmem_shared>>)
      tpu.yield
    }) : () -> ()
    %barrier3A = arith.constant 0 : index
    tpu.barrier barrier_id(%barrier3A)
    %mul3A_3 = arith.constant 80 : i32
    %mul3A_4 = arith.muli %add3A, %mul3A_3 : i32
    %add3A_5 = arith.constant 0 : i32
    %add3A_6 = arith.addi %mul3A_4, %add3A_5 : i32
    %dma_start3A = arith.constant 0 : i32
    %dma_start3A_7 = tpu.memref_slice %arg3[%add3A_6, %dma_start3A] : memref<2560x128xi32, #tpu.memory_space<hbm>> -> memref<1x128xi32, #tpu.memory_space<hbm>>
    %dma_start3A_8 = tpu.memref_squeeze %dma_start3A_7 : memref<1x128xi32, #tpu.memory_space<hbm>> -> memref<128xi32, #tpu.memory_space<hbm>>
    %dma_start3A_9 = arith.constant 0 : i32
    %dma_start3A_10 = tpu.memref_slice %arg3[%add3A_6, %dma_start3A_9] : memref<2560x128xi32, #tpu.memory_space<hbm>> -> memref<1x128xi32, #tpu.memory_space<hbm>>
    %dma_start3A_11 = tpu.memref_squeeze %dma_start3A_10 : memref<1x128xi32, #tpu.memory_space<hbm>> -> memref<128xi32, #tpu.memory_space<hbm>>
    tpu.enqueue_dma source(%dma_start3A_11 : memref<128xi32, #tpu.memory_space<hbm>>) target(%arg9 : memref<128xi32, #tpu.memory_space<vmem>>) target_semaphore(%arg20 : memref<!tpu.dma_semaphore, #tpu.memory_space<semaphore_mem>>)
    %add3A_12 = arith.constant 0 : i32
    %add3A_13 = arith.addi %mul3A_4, %add3A_12 : i32
    %dma_start3A_14 = arith.constant 0 : i32
    %dma_start3A_15 = tpu.memref_slice %arg4[%add3A_13, %dma_start3A_14] : memref<2560x128xi32, #tpu.memory_space<hbm>> -> memref<1x128xi32, #tpu.memory_space<hbm>>
    %dma_start3A_16 = tpu.memref_squeeze %dma_start3A_15 : memref<1x128xi32, #tpu.memory_space<hbm>> -> memref<128xi32, #tpu.memory_space<hbm>>
    %dma_start3A_17 = arith.constant 0 : i32
    %dma_start3A_18 = tpu.memref_slice %arg4[%add3A_13, %dma_start3A_17] : memref<2560x128xi32, #tpu.memory_space<hbm>> -> memref<1x128xi32, #tpu.memory_space<hbm>>
    %dma_start3A_19 = tpu.memref_squeeze %dma_start3A_18 : memref<1x128xi32, #tpu.memory_space<hbm>> -> memref<128xi32, #tpu.memory_space<hbm>>
    tpu.enqueue_dma source(%dma_start3A_19 : memref<128xi32, #tpu.memory_space<hbm>>) target(%arg13 : memref<128xi32, #tpu.memory_space<vmem>>) target_semaphore(%arg20 : memref<!tpu.dma_semaphore, #tpu.memory_space<semaphore_mem>>)
    %add3A_20 = arith.constant 1 : i32
    %add3A_21 = arith.addi %mul3A_4, %add3A_20 : i32
    %dma_start3A_22 = arith.constant 0 : i32
    %dma_start3A_23 = tpu.memref_slice %arg3[%add3A_21, %dma_start3A_22] : memref<2560x128xi32, #tpu.memory_space<hbm>> -> memref<1x128xi32, #tpu.memory_space<hbm>>
    %dma_start3A_24 = tpu.memref_squeeze %dma_start3A_23 : memref<1x128xi32, #tpu.memory_space<hbm>> -> memref<128xi32, #tpu.memory_space<hbm>>
    %dma_start3A_25 = arith.constant 0 : i32
    %dma_start3A_26 = tpu.memref_slice %arg3[%add3A_21, %dma_start3A_25] : memref<2560x128xi32, #tpu.memory_space<hbm>> -> memref<1x128xi32, #tpu.memory_space<hbm>>
    %dma_start3A_27 = tpu.memref_squeeze %dma_start3A_26 : memref<1x128xi32, #tpu.memory_space<hbm>> -> memref<128xi32, #tpu.memory_space<hbm>>
    tpu.enqueue_dma source(%dma_start3A_27 : memref<128xi32, #tpu.memory_space<hbm>>) target(%arg10 : memref<128xi32, #tpu.memory_space<vmem>>) target_semaphore(%arg21 : memref<!tpu.dma_semaphore, #tpu.memory_space<semaphore_mem>>)
    %add3A_28 = arith.constant 1 : i32
    %add3A_29 = arith.addi %mul3A_4, %add3A_28 : i32
    %dma_start3A_30 = arith.constant 0 : i32
    %dma_start3A_31 = tpu.memref_slice %arg4[%add3A_29, %dma_start3A_30] : memref<2560x128xi32, #tpu.memory_space<hbm>> -> memref<1x128xi32, #tpu.memory_space<hbm>>
    %dma_start3A_32 = tpu.memref_squeeze %dma_start3A_31 : memref<1x128xi32, #tpu.memory_space<hbm>> -> memref<128xi32, #tpu.memory_space<hbm>>
    %dma_start3A_33 = arith.constant 0 : i32
    %dma_start3A_34 = tpu.memref_slice %arg4[%add3A_29, %dma_start3A_33] : memref<2560x128xi32, #tpu.memory_space<hbm>> -> memref<1x128xi32, #tpu.memory_space<hbm>>
    %dma_start3A_35 = tpu.memref_squeeze %dma_start3A_34 : memref<1x128xi32, #tpu.memory_space<hbm>> -> memref<128xi32, #tpu.memory_space<hbm>>
    tpu.enqueue_dma source(%dma_start3A_35 : memref<128xi32, #tpu.memory_space<hbm>>) target(%arg14 : memref<128xi32, #tpu.memory_space<vmem>>) target_semaphore(%arg21 : memref<!tpu.dma_semaphore, #tpu.memory_space<semaphore_mem>>)
    %add3A_36 = arith.constant 2 : i32
    %add3A_37 = arith.addi %mul3A_4, %add3A_36 : i32
    %dma_start3A_38 = arith.constant 0 : i32
    %dma_start3A_39 = tpu.memref_slice %arg3[%add3A_37, %dma_start3A_38] : memref<2560x128xi32, #tpu.memory_space<hbm>> -> memref<1x128xi32, #tpu.memory_space<hbm>>
    %dma_start3A_40 = tpu.memref_squeeze %dma_start3A_39 : memref<1x128xi32, #tpu.memory_space<hbm>> -> memref<128xi32, #tpu.memory_space<hbm>>
    %dma_start3A_41 = arith.constant 0 : i32
    %dma_start3A_42 = tpu.memref_slice %arg3[%add3A_37, %dma_start3A_41] : memref<2560x128xi32, #tpu.memory_space<hbm>> -> memref<1x128xi32, #tpu.memory_space<hbm>>
    %dma_start3A_43 = tpu.memref_squeeze %dma_start3A_42 : memref<1x128xi32, #tpu.memory_space<hbm>> -> memref<128xi32, #tpu.memory_space<hbm>>
    tpu.enqueue_dma source(%dma_start3A_43 : memref<128xi32, #tpu.memory_space<hbm>>) target(%arg11 : memref<128xi32, #tpu.memory_space<vmem>>) target_semaphore(%arg22 : memref<!tpu.dma_semaphore, #tpu.memory_space<semaphore_mem>>)
    %add3A_44 = arith.constant 2 : i32
    %add3A_45 = arith.addi %mul3A_4, %add3A_44 : i32
    %dma_start3A_46 = arith.constant 0 : i32
    %dma_start3A_47 = tpu.memref_slice %arg4[%add3A_45, %dma_start3A_46] : memref<2560x128xi32, #tpu.memory_space<hbm>> -> memref<1x128xi32, #tpu.memory_space<hbm>>
    %dma_start3A_48 = tpu.memref_squeeze %dma_start3A_47 : memref<1x128xi32, #tpu.memory_space<hbm>> -> memref<128xi32, #tpu.memory_space<hbm>>
    %dma_start3A_49 = arith.constant 0 : i32
    %dma_start3A_50 = tpu.memref_slice %arg4[%add3A_45, %dma_start3A_49] : memref<2560x128xi32, #tpu.memory_space<hbm>> -> memref<1x128xi32, #tpu.memory_space<hbm>>
    %dma_start3A_51 = tpu.memref_squeeze %dma_start3A_50 : memref<1x128xi32, #tpu.memory_space<hbm>> -> memref<128xi32, #tpu.memory_space<hbm>>
    tpu.enqueue_dma source(%dma_start3A_51 : memref<128xi32, #tpu.memory_space<hbm>>) target(%arg15 : memref<128xi32, #tpu.memory_space<vmem>>) target_semaphore(%arg22 : memref<!tpu.dma_semaphore, #tpu.memory_space<semaphore_mem>>)
    %add3A_52 = arith.constant 3 : i32
    %add3A_53 = arith.addi %mul3A_4, %add3A_52 : i32
    %dma_start3A_54 = arith.constant 0 : i32
    %dma_start3A_55 = tpu.memref_slice %arg3[%add3A_53, %dma_start3A_54] : memref<2560x128xi32, #tpu.memory_space<hbm>> -> memref<1x128xi32, #tpu.memory_space<hbm>>
    %dma_start3A_56 = tpu.memref_squeeze %dma_start3A_55 : memref<1x128xi32, #tpu.memory_space<hbm>> -> memref<128xi32, #tpu.memory_space<hbm>>
    %dma_start3A_57 = arith.constant 0 : i32
    %dma_start3A_58 = tpu.memref_slice %arg3[%add3A_53, %dma_start3A_57] : memref<2560x128xi32, #tpu.memory_space<hbm>> -> memref<1x128xi32, #tpu.memory_space<hbm>>
    %dma_start3A_59 = tpu.memref_squeeze %dma_start3A_58 : memref<1x128xi32, #tpu.memory_space<hbm>> -> memref<128xi32, #tpu.memory_space<hbm>>
    tpu.enqueue_dma source(%dma_start3A_59 : memref<128xi32, #tpu.memory_space<hbm>>) target(%arg12 : memref<128xi32, #tpu.memory_space<vmem>>) target_semaphore(%arg23 : memref<!tpu.dma_semaphore, #tpu.memory_space<semaphore_mem>>)
    %add3A_60 = arith.constant 3 : i32
    %add3A_61 = arith.addi %mul3A_4, %add3A_60 : i32
    %dma_start3A_62 = arith.constant 0 : i32
    %dma_start3A_63 = tpu.memref_slice %arg4[%add3A_61, %dma_start3A_62] : memref<2560x128xi32, #tpu.memory_space<hbm>> -> memref<1x128xi32, #tpu.memory_space<hbm>>
    %dma_start3A_64 = tpu.memref_squeeze %dma_start3A_63 : memref<1x128xi32, #tpu.memory_space<hbm>> -> memref<128xi32, #tpu.memory_space<hbm>>
    %dma_start3A_65 = arith.constant 0 : i32
    %dma_start3A_66 = tpu.memref_slice %arg4[%add3A_61, %dma_start3A_65] : memref<2560x128xi32, #tpu.memory_space<hbm>> -> memref<1x128xi32, #tpu.memory_space<hbm>>
    %dma_start3A_67 = tpu.memref_squeeze %dma_start3A_66 : memref<1x128xi32, #tpu.memory_space<hbm>> -> memref<128xi32, #tpu.memory_space<hbm>>
    tpu.enqueue_dma source(%dma_start3A_67 : memref<128xi32, #tpu.memory_space<hbm>>) target(%arg16 : memref<128xi32, #tpu.memory_space<vmem>>) target_semaphore(%arg23 : memref<!tpu.dma_semaphore, #tpu.memory_space<semaphore_mem>>)
    %dma_wait3A = arith.constant 0 : i32
    %dma_wait3A_68 = tpu.memref_slice %arg3[%mul3A_4, %dma_wait3A] : memref<2560x128xi32, #tpu.memory_space<hbm>> -> memref<1x128xi32, #tpu.memory_space<hbm>>
    %dma_wait3A_69 = tpu.memref_squeeze %dma_wait3A_68 : memref<1x128xi32, #tpu.memory_space<hbm>> -> memref<128xi32, #tpu.memory_space<hbm>>
    %dma_wait3A_70 = arith.constant 0 : i32
    %dma_wait3A_71 = tpu.memref_slice %arg3[%mul3A_4, %dma_wait3A_70] : memref<2560x128xi32, #tpu.memory_space<hbm>> -> memref<1x128xi32, #tpu.memory_space<hbm>>
    %dma_wait3A_72 = tpu.memref_squeeze %dma_wait3A_71 : memref<1x128xi32, #tpu.memory_space<hbm>> -> memref<128xi32, #tpu.memory_space<hbm>>
    tpu.wait_dma2 semaphore(%arg20 : memref<!tpu.dma_semaphore, #tpu.memory_space<semaphore_mem>>) src(%dma_wait3A_72 : memref<128xi32, #tpu.memory_space<hbm>>) dst(%arg9 : memref<128xi32, #tpu.memory_space<vmem>>)
    %dma_wait3A_73 = arith.constant 0 : i32
    %dma_wait3A_74 = tpu.memref_slice %arg4[%mul3A_4, %dma_wait3A_73] : memref<2560x128xi32, #tpu.memory_space<hbm>> -> memref<1x128xi32, #tpu.memory_space<hbm>>
    %dma_wait3A_75 = tpu.memref_squeeze %dma_wait3A_74 : memref<1x128xi32, #tpu.memory_space<hbm>> -> memref<128xi32, #tpu.memory_space<hbm>>
    %dma_wait3A_76 = arith.constant 0 : i32
    %dma_wait3A_77 = tpu.memref_slice %arg4[%mul3A_4, %dma_wait3A_76] : memref<2560x128xi32, #tpu.memory_space<hbm>> -> memref<1x128xi32, #tpu.memory_space<hbm>>
    %dma_wait3A_78 = tpu.memref_squeeze %dma_wait3A_77 : memref<1x128xi32, #tpu.memory_space<hbm>> -> memref<128xi32, #tpu.memory_space<hbm>>
    tpu.wait_dma2 semaphore(%arg20 : memref<!tpu.dma_semaphore, #tpu.memory_space<semaphore_mem>>) src(%dma_wait3A_78 : memref<128xi32, #tpu.memory_space<hbm>>) dst(%arg13 : memref<128xi32, #tpu.memory_space<vmem>>)
    %dma_start3A_79 = arith.constant 0 : i32
    %dma_start3A_80 = arith.constant 0 : i32
    %dma_start3A_81 = tpu.memref_slice %arg2[%dma_start3A_79, %dma_start3A_80] : memref<10240x144xf32, #tpu.memory_space<hbm>> -> memref<128x144xf32, #tpu.memory_space<hbm>>
    %dma_start3A_82 = arith.constant 0 : i32
    %dma_start3A_83 = arith.constant 0 : i32
    %dma_start3A_84 = tpu.memref_slice %arg2[%dma_start3A_82, %dma_start3A_83] : memref<10240x144xf32, #tpu.memory_space<hbm>> -> memref<128x144xf32, #tpu.memory_space<hbm>>
    tpu.enqueue_dma source(%dma_start3A_84 : memref<128x144xf32, #tpu.memory_space<hbm>>) target(%arg7 : memref<128x144xf32, #tpu.memory_space<vmem>>) target_semaphore(%arg18 : memref<!tpu.dma_semaphore, #tpu.memory_space<semaphore_mem>>)
    %dma_wait3A_85 = arith.constant 0 : i32
    %dma_wait3A_86 = tpu.memref_slice %arg3[%mul3A_4, %dma_wait3A_85] : memref<2560x128xi32, #tpu.memory_space<hbm>> -> memref<1x128xi32, #tpu.memory_space<hbm>>
    %dma_wait3A_87 = tpu.memref_squeeze %dma_wait3A_86 : memref<1x128xi32, #tpu.memory_space<hbm>> -> memref<128xi32, #tpu.memory_space<hbm>>
    %dma_wait3A_88 = arith.constant 0 : i32
    %dma_wait3A_89 = tpu.memref_slice %arg3[%mul3A_4, %dma_wait3A_88] : memref<2560x128xi32, #tpu.memory_space<hbm>> -> memref<1x128xi32, #tpu.memory_space<hbm>>
    %dma_wait3A_90 = tpu.memref_squeeze %dma_wait3A_89 : memref<1x128xi32, #tpu.memory_space<hbm>> -> memref<128xi32, #tpu.memory_space<hbm>>
    tpu.wait_dma2 semaphore(%arg21 : memref<!tpu.dma_semaphore, #tpu.memory_space<semaphore_mem>>) src(%dma_wait3A_90 : memref<128xi32, #tpu.memory_space<hbm>>) dst(%arg10 : memref<128xi32, #tpu.memory_space<vmem>>)
    %dma_wait3A_91 = arith.constant 0 : i32
    %dma_wait3A_92 = tpu.memref_slice %arg4[%mul3A_4, %dma_wait3A_91] : memref<2560x128xi32, #tpu.memory_space<hbm>> -> memref<1x128xi32, #tpu.memory_space<hbm>>
    %dma_wait3A_93 = tpu.memref_squeeze %dma_wait3A_92 : memref<1x128xi32, #tpu.memory_space<hbm>> -> memref<128xi32, #tpu.memory_space<hbm>>
    %dma_wait3A_94 = arith.constant 0 : i32
    %dma_wait3A_95 = tpu.memref_slice %arg4[%mul3A_4, %dma_wait3A_94] : memref<2560x128xi32, #tpu.memory_space<hbm>> -> memref<1x128xi32, #tpu.memory_space<hbm>>
    %dma_wait3A_96 = tpu.memref_squeeze %dma_wait3A_95 : memref<1x128xi32, #tpu.memory_space<hbm>> -> memref<128xi32, #tpu.memory_space<hbm>>
    tpu.wait_dma2 semaphore(%arg21 : memref<!tpu.dma_semaphore, #tpu.memory_space<semaphore_mem>>) src(%dma_wait3A_96 : memref<128xi32, #tpu.memory_space<hbm>>) dst(%arg14 : memref<128xi32, #tpu.memory_space<vmem>>)
    %dma_start3A_97 = arith.constant 0 : i32
    %dma_start3A_98 = arith.constant 0 : i32
    %dma_start3A_99 = tpu.memref_slice %arg2[%dma_start3A_97, %dma_start3A_98] : memref<10240x144xf32, #tpu.memory_space<hbm>> -> memref<128x144xf32, #tpu.memory_space<hbm>>
    %dma_start3A_100 = arith.constant 0 : i32
    %dma_start3A_101 = arith.constant 0 : i32
    %dma_start3A_102 = tpu.memref_slice %arg2[%dma_start3A_100, %dma_start3A_101] : memref<10240x144xf32, #tpu.memory_space<hbm>> -> memref<128x144xf32, #tpu.memory_space<hbm>>
    tpu.enqueue_dma source(%dma_start3A_102 : memref<128x144xf32, #tpu.memory_space<hbm>>) target(%arg8 : memref<128x144xf32, #tpu.memory_space<vmem>>) target_semaphore(%arg19 : memref<!tpu.dma_semaphore, #tpu.memory_space<semaphore_mem>>)
    %scan3A = arith.constant 0 : i32
    %scan3A_103 = arith.constant 0 : i32
    %scan3A_104 = arith.constant 20 : i32
    %scan3A_105 = arith.addi %scan3A_103, %scan3A_104 : i32
    %scan3A_106 = arith.constant 1 : i32
    scf.for %scan3A_141 = %scan3A_103 to %scan3A_105 step %scan3A_106  : i32 {
      %mul3A_142 = arith.constant 4 : i32
      %mul3A_143 = arith.muli %scan3A_141, %mul3A_142 : i32
      %add3A_144 = arith.constant 0 : i32
      %add3A_145 = arith.addi %mul3A_143, %add3A_144 : i32
      %dma_wait3A_146 = arith.constant 0 : i32
      %dma_wait3A_147 = arith.constant 0 : i32
      %dma_wait3A_148 = tpu.memref_slice %arg2[%dma_wait3A_146, %dma_wait3A_147] : memref<10240x144xf32, #tpu.memory_space<hbm>> -> memref<10240x144xf32, #tpu.memory_space<hbm>>
      tpu.wait_indirect_dma semaphore(%arg18 : memref<!tpu.dma_semaphore, #tpu.memory_space<semaphore_mem>>) src(%dma_wait3A_148 : memref<10240x144xf32, #tpu.memory_space<hbm>>) dst(%arg7 : memref<128x144xf32, #tpu.memory_space<vmem>>)
      %dma_wait3A_149 = arith.constant 0 : i32
      %dma_wait3A_150 = tpu.memref_slice %arg3[%mul3A_4, %dma_wait3A_149] : memref<2560x128xi32, #tpu.memory_space<hbm>> -> memref<1x128xi32, #tpu.memory_space<hbm>>
      %dma_wait3A_151 = tpu.memref_squeeze %dma_wait3A_150 : memref<1x128xi32, #tpu.memory_space<hbm>> -> memref<128xi32, #tpu.memory_space<hbm>>
      %dma_wait3A_152 = arith.constant 0 : i32
      %dma_wait3A_153 = tpu.memref_slice %arg3[%mul3A_4, %dma_wait3A_152] : memref<2560x128xi32, #tpu.memory_space<hbm>> -> memref<1x128xi32, #tpu.memory_space<hbm>>
      %dma_wait3A_154 = tpu.memref_squeeze %dma_wait3A_153 : memref<1x128xi32, #tpu.memory_space<hbm>> -> memref<128xi32, #tpu.memory_space<hbm>>
      tpu.wait_dma2 semaphore(%arg22 : memref<!tpu.dma_semaphore, #tpu.memory_space<semaphore_mem>>) src(%dma_wait3A_154 : memref<128xi32, #tpu.memory_space<hbm>>) dst(%arg11 : memref<128xi32, #tpu.memory_space<vmem>>)
      %dma_wait3A_155 = arith.constant 0 : i32
      %dma_wait3A_156 = tpu.memref_slice %arg4[%mul3A_4, %dma_wait3A_155] : memref<2560x128xi32, #tpu.memory_space<hbm>> -> memref<1x128xi32, #tpu.memory_space<hbm>>
      %dma_wait3A_157 = tpu.memref_squeeze %dma_wait3A_156 : memref<1x128xi32, #tpu.memory_space<hbm>> -> memref<128xi32, #tpu.memory_space<hbm>>
      %dma_wait3A_158 = arith.constant 0 : i32
      %dma_wait3A_159 = tpu.memref_slice %arg4[%mul3A_4, %dma_wait3A_158] : memref<2560x128xi32, #tpu.memory_space<hbm>> -> memref<1x128xi32, #tpu.memory_space<hbm>>
      %dma_wait3A_160 = tpu.memref_squeeze %dma_wait3A_159 : memref<1x128xi32, #tpu.memory_space<hbm>> -> memref<128xi32, #tpu.memory_space<hbm>>
      tpu.wait_dma2 semaphore(%arg22 : memref<!tpu.dma_semaphore, #tpu.memory_space<semaphore_mem>>) src(%dma_wait3A_160 : memref<128xi32, #tpu.memory_space<hbm>>) dst(%arg15 : memref<128xi32, #tpu.memory_space<vmem>>)
      %dma_start3A_161 = arith.constant 0 : i32
      %dma_start3A_162 = arith.constant 0 : i32
      %dma_start3A_163 = tpu.memref_slice %arg2[%dma_start3A_161, %dma_start3A_162] : memref<10240x144xf32, #tpu.memory_space<hbm>> -> memref<128x144xf32, #tpu.memory_space<hbm>>
      %dma_start3A_164 = arith.constant 0 : i32
      %dma_start3A_165 = arith.constant 0 : i32
      %dma_start3A_166 = tpu.memref_slice %arg2[%dma_start3A_164, %dma_start3A_165] : memref<10240x144xf32, #tpu.memory_space<hbm>> -> memref<128x144xf32, #tpu.memory_space<hbm>>
      tpu.enqueue_dma source(%dma_start3A_166 : memref<128x144xf32, #tpu.memory_space<hbm>>) target(%arg7 : memref<128x144xf32, #tpu.memory_space<vmem>>) target_semaphore(%arg18 : memref<!tpu.dma_semaphore, #tpu.memory_space<semaphore_mem>>)
      %add3A_167 = arith.constant 4 : i32
      %add3A_168 = arith.addi %add3A_145, %add3A_167 : i32
      %min3A = arith.constant 79 : i32
      %min3A_169 = arith.minsi %add3A_168, %min3A : i32
      %add3A_170 = arith.addi %mul3A_4, %min3A_169 : i32
      %dma_start3A_171 = arith.constant 0 : i32
      %dma_start3A_172 = tpu.memref_slice %arg3[%add3A_170, %dma_start3A_171] : memref<2560x128xi32, #tpu.memory_space<hbm>> -> memref<1x128xi32, #tpu.memory_space<hbm>>
      %dma_start3A_173 = tpu.memref_squeeze %dma_start3A_172 : memref<1x128xi32, #tpu.memory_space<hbm>> -> memref<128xi32, #tpu.memory_space<hbm>>
      %dma_start3A_174 = arith.constant 0 : i32
      %dma_start3A_175 = tpu.memref_slice %arg3[%add3A_170, %dma_start3A_174] : memref<2560x128xi32, #tpu.memory_space<hbm>> -> memref<1x128xi32, #tpu.memory_space<hbm>>
      %dma_start3A_176 = tpu.memref_squeeze %dma_start3A_175 : memref<1x128xi32, #tpu.memory_space<hbm>> -> memref<128xi32, #tpu.memory_space<hbm>>
      tpu.enqueue_dma source(%dma_start3A_176 : memref<128xi32, #tpu.memory_space<hbm>>) target(%arg9 : memref<128xi32, #tpu.memory_space<vmem>>) target_semaphore(%arg20 : memref<!tpu.dma_semaphore, #tpu.memory_space<semaphore_mem>>)
      %add3A_177 = arith.addi %mul3A_4, %min3A_169 : i32
      %dma_start3A_178 = arith.constant 0 : i32
      %dma_start3A_179 = tpu.memref_slice %arg4[%add3A_177, %dma_start3A_178] : memref<2560x128xi32, #tpu.memory_space<hbm>> -> memref<1x128xi32, #tpu.memory_space<hbm>>
      %dma_start3A_180 = tpu.memref_squeeze %dma_start3A_179 : memref<1x128xi32, #tpu.memory_space<hbm>> -> memref<128xi32, #tpu.memory_space<hbm>>
      %dma_start3A_181 = arith.constant 0 : i32
      %dma_start3A_182 = tpu.memref_slice %arg4[%add3A_177, %dma_start3A_181] : memref<2560x128xi32, #tpu.memory_space<hbm>> -> memref<1x128xi32, #tpu.memory_space<hbm>>
      %dma_start3A_183 = tpu.memref_squeeze %dma_start3A_182 : memref<1x128xi32, #tpu.memory_space<hbm>> -> memref<128xi32, #tpu.memory_space<hbm>>
      tpu.enqueue_dma source(%dma_start3A_183 : memref<128xi32, #tpu.memory_space<hbm>>) target(%arg13 : memref<128xi32, #tpu.memory_space<vmem>>) target_semaphore(%arg20 : memref<!tpu.dma_semaphore, #tpu.memory_space<semaphore_mem>>)
      %add3A_184 = arith.constant 1 : i32
      %add3A_185 = arith.addi %mul3A_143, %add3A_184 : i32
      %dma_wait3A_186 = arith.constant 0 : i32
      %dma_wait3A_187 = arith.constant 0 : i32
      %dma_wait3A_188 = tpu.memref_slice %arg2[%dma_wait3A_186, %dma_wait3A_187] : memref<10240x144xf32, #tpu.memory_space<hbm>> -> memref<10240x144xf32, #tpu.memory_space<hbm>>
      tpu.wait_indirect_dma semaphore(%arg19 : memref<!tpu.dma_semaphore, #tpu.memory_space<semaphore_mem>>) src(%dma_wait3A_188 : memref<10240x144xf32, #tpu.memory_space<hbm>>) dst(%arg8 : memref<128x144xf32, #tpu.memory_space<vmem>>)
      %dma_wait3A_189 = arith.constant 0 : i32
      %dma_wait3A_190 = tpu.memref_slice %arg3[%mul3A_4, %dma_wait3A_189] : memref<2560x128xi32, #tpu.memory_space<hbm>> -> memref<1x128xi32, #tpu.memory_space<hbm>>
      %dma_wait3A_191 = tpu.memref_squeeze %dma_wait3A_190 : memref<1x128xi32, #tpu.memory_space<hbm>> -> memref<128xi32, #tpu.memory_space<hbm>>
      %dma_wait3A_192 = arith.constant 0 : i32
      %dma_wait3A_193 = tpu.memref_slice %arg3[%mul3A_4, %dma_wait3A_192] : memref<2560x128xi32, #tpu.memory_space<hbm>> -> memref<1x128xi32, #tpu.memory_space<hbm>>
      %dma_wait3A_194 = tpu.memref_squeeze %dma_wait3A_193 : memref<1x128xi32, #tpu.memory_space<hbm>> -> memref<128xi32, #tpu.memory_space<hbm>>
      tpu.wait_dma2 semaphore(%arg23 : memref<!tpu.dma_semaphore, #tpu.memory_space<semaphore_mem>>) src(%dma_wait3A_194 : memref<128xi32, #tpu.memory_space<hbm>>) dst(%arg12 : memref<128xi32, #tpu.memory_space<vmem>>)
      %dma_wait3A_195 = arith.constant 0 : i32
      %dma_wait3A_196 = tpu.memref_slice %arg4[%mul3A_4, %dma_wait3A_195] : memref<2560x128xi32, #tpu.memory_space<hbm>> -> memref<1x128xi32, #tpu.memory_space<hbm>>
      %dma_wait3A_197 = tpu.memref_squeeze %dma_wait3A_196 : memref<1x128xi32, #tpu.memory_space<hbm>> -> memref<128xi32, #tpu.memory_space<hbm>>
      %dma_wait3A_198 = arith.constant 0 : i32
      %dma_wait3A_199 = tpu.memref_slice %arg4[%mul3A_4, %dma_wait3A_198] : memref<2560x128xi32, #tpu.memory_space<hbm>> -> memref<1x128xi32, #tpu.memory_space<hbm>>
      %dma_wait3A_200 = tpu.memref_squeeze %dma_wait3A_199 : memref<1x128xi32, #tpu.memory_space<hbm>> -> memref<128xi32, #tpu.memory_space<hbm>>
      tpu.wait_dma2 semaphore(%arg23 : memref<!tpu.dma_semaphore, #tpu.memory_space<semaphore_mem>>) src(%dma_wait3A_200 : memref<128xi32, #tpu.memory_space<hbm>>) dst(%arg16 : memref<128xi32, #tpu.memory_space<vmem>>)
      %dma_start3A_201 = arith.constant 0 : i32
      %dma_start3A_202 = arith.constant 0 : i32
      %dma_start3A_203 = tpu.memref_slice %arg2[%dma_start3A_201, %dma_start3A_202] : memref<10240x144xf32, #tpu.memory_space<hbm>> -> memref<128x144xf32, #tpu.memory_space<hbm>>
      %dma_start3A_204 = arith.constant 0 : i32
      %dma_start3A_205 = arith.constant 0 : i32
      %dma_start3A_206 = tpu.memref_slice %arg2[%dma_start3A_204, %dma_start3A_205] : memref<10240x144xf32, #tpu.memory_space<hbm>> -> memref<128x144xf32, #tpu.memory_space<hbm>>
      tpu.enqueue_dma source(%dma_start3A_206 : memref<128x144xf32, #tpu.memory_space<hbm>>) target(%arg8 : memref<128x144xf32, #tpu.memory_space<vmem>>) target_semaphore(%arg19 : memref<!tpu.dma_semaphore, #tpu.memory_space<semaphore_mem>>)
      %add3A_207 = arith.constant 4 : i32
      %add3A_208 = arith.addi %add3A_185, %add3A_207 : i32
      %min3A_209 = arith.constant 79 : i32
      %min3A_210 = arith.minsi %add3A_208, %min3A_209 : i32
      %add3A_211 = arith.addi %mul3A_4, %min3A_210 : i32
      %dma_start3A_212 = arith.constant 0 : i32
      %dma_start3A_213 = tpu.memref_slice %arg3[%add3A_211, %dma_start3A_212] : memref<2560x128xi32, #tpu.memory_space<hbm>> -> memref<1x128xi32, #tpu.memory_space<hbm>>
      %dma_start3A_214 = tpu.memref_squeeze %dma_start3A_213 : memref<1x128xi32, #tpu.memory_space<hbm>> -> memref<128xi32, #tpu.memory_space<hbm>>
      %dma_start3A_215 = arith.constant 0 : i32
      %dma_start3A_216 = tpu.memref_slice %arg3[%add3A_211, %dma_start3A_215] : memref<2560x128xi32, #tpu.memory_space<hbm>> -> memref<1x128xi32, #tpu.memory_space<hbm>>
      %dma_start3A_217 = tpu.memref_squeeze %dma_start3A_216 : memref<1x128xi32, #tpu.memory_space<hbm>> -> memref<128xi32, #tpu.memory_space<hbm>>
      tpu.enqueue_dma source(%dma_start3A_217 : memref<128xi32, #tpu.memory_space<hbm>>) target(%arg10 : memref<128xi32, #tpu.memory_space<vmem>>) target_semaphore(%arg21 : memref<!tpu.dma_semaphore, #tpu.memory_space<semaphore_mem>>)
      %add3A_218 = arith.addi %mul3A_4, %min3A_210 : i32
      %dma_start3A_219 = arith.constant 0 : i32
      %dma_start3A_220 = tpu.memref_slice %arg4[%add3A_218, %dma_start3A_219] : memref<2560x128xi32, #tpu.memory_space<hbm>> -> memref<1x128xi32, #tpu.memory_space<hbm>>
      %dma_start3A_221 = tpu.memref_squeeze %dma_start3A_220 : memref<1x128xi32, #tpu.memory_space<hbm>> -> memref<128xi32, #tpu.memory_space<hbm>>
      %dma_start3A_222 = arith.constant 0 : i32
      %dma_start3A_223 = tpu.memref_slice %arg4[%add3A_218, %dma_start3A_222] : memref<2560x128xi32, #tpu.memory_space<hbm>> -> memref<1x128xi32, #tpu.memory_space<hbm>>
      %dma_start3A_224 = tpu.memref_squeeze %dma_start3A_223 : memref<1x128xi32, #tpu.memory_space<hbm>> -> memref<128xi32, #tpu.memory_space<hbm>>
      tpu.enqueue_dma source(%dma_start3A_224 : memref<128xi32, #tpu.memory_space<hbm>>) target(%arg14 : memref<128xi32, #tpu.memory_space<vmem>>) target_semaphore(%arg21 : memref<!tpu.dma_semaphore, #tpu.memory_space<semaphore_mem>>)
      %add3A_225 = arith.constant 2 : i32
      %add3A_226 = arith.addi %mul3A_143, %add3A_225 : i32
      %dma_wait3A_227 = arith.constant 0 : i32
      %dma_wait3A_228 = arith.constant 0 : i32
      %dma_wait3A_229 = tpu.memref_slice %arg2[%dma_wait3A_227, %dma_wait3A_228] : memref<10240x144xf32, #tpu.memory_space<hbm>> -> memref<10240x144xf32, #tpu.memory_space<hbm>>
      tpu.wait_indirect_dma semaphore(%arg18 : memref<!tpu.dma_semaphore, #tpu.memory_space<semaphore_mem>>) src(%dma_wait3A_229 : memref<10240x144xf32, #tpu.memory_space<hbm>>) dst(%arg7 : memref<128x144xf32, #tpu.memory_space<vmem>>)
      %dma_wait3A_230 = arith.constant 0 : i32
      %dma_wait3A_231 = tpu.memref_slice %arg3[%mul3A_4, %dma_wait3A_230] : memref<2560x128xi32, #tpu.memory_space<hbm>> -> memref<1x128xi32, #tpu.memory_space<hbm>>
      %dma_wait3A_232 = tpu.memref_squeeze %dma_wait3A_231 : memref<1x128xi32, #tpu.memory_space<hbm>> -> memref<128xi32, #tpu.memory_space<hbm>>
      %dma_wait3A_233 = arith.constant 0 : i32
      %dma_wait3A_234 = tpu.memref_slice %arg3[%mul3A_4, %dma_wait3A_233] : memref<2560x128xi32, #tpu.memory_space<hbm>> -> memref<1x128xi32, #tpu.memory_space<hbm>>
      %dma_wait3A_235 = tpu.memref_squeeze %dma_wait3A_234 : memref<1x128xi32, #tpu.memory_space<hbm>> -> memref<128xi32, #tpu.memory_space<hbm>>
      tpu.wait_dma2 semaphore(%arg20 : memref<!tpu.dma_semaphore, #tpu.memory_space<semaphore_mem>>) src(%dma_wait3A_235 : memref<128xi32, #tpu.memory_space<hbm>>) dst(%arg9 : memref<128xi32, #tpu.memory_space<vmem>>)
      %dma_wait3A_236 = arith.constant 0 : i32
      %dma_wait3A_237 = tpu.memref_slice %arg4[%mul3A_4, %dma_wait3A_236] : memref<2560x128xi32, #tpu.memory_space<hbm>> -> memref<1x128xi32, #tpu.memory_space<hbm>>
      %dma_wait3A_238 = tpu.memref_squeeze %dma_wait3A_237 : memref<1x128xi32, #tpu.memory_space<hbm>> -> memref<128xi32, #tpu.memory_space<hbm>>
      %dma_wait3A_239 = arith.constant 0 : i32
      %dma_wait3A_240 = tpu.memref_slice %arg4[%mul3A_4, %dma_wait3A_239] : memref<2560x128xi32, #tpu.memory_space<hbm>> -> memref<1x128xi32, #tpu.memory_space<hbm>>
      %dma_wait3A_241 = tpu.memref_squeeze %dma_wait3A_240 : memref<1x128xi32, #tpu.memory_space<hbm>> -> memref<128xi32, #tpu.memory_space<hbm>>
      tpu.wait_dma2 semaphore(%arg20 : memref<!tpu.dma_semaphore, #tpu.memory_space<semaphore_mem>>) src(%dma_wait3A_241 : memref<128xi32, #tpu.memory_space<hbm>>) dst(%arg13 : memref<128xi32, #tpu.memory_space<vmem>>)
      %dma_start3A_242 = arith.constant 0 : i32
      %dma_start3A_243 = arith.constant 0 : i32
      %dma_start3A_244 = tpu.memref_slice %arg2[%dma_start3A_242, %dma_start3A_243] : memref<10240x144xf32, #tpu.memory_space<hbm>> -> memref<128x144xf32, #tpu.memory_space<hbm>>
      %dma_start3A_245 = arith.constant 0 : i32
      %dma_start3A_246 = arith.constant 0 : i32
      %dma_start3A_247 = tpu.memref_slice %arg2[%dma_start3A_245, %dma_start3A_246] : memref<10240x144xf32, #tpu.memory_space<hbm>> -> memref<128x144xf32, #tpu.memory_space<hbm>>
      tpu.enqueue_dma source(%dma_start3A_247 : memref<128x144xf32, #tpu.memory_space<hbm>>) target(%arg7 : memref<128x144xf32, #tpu.memory_space<vmem>>) target_semaphore(%arg18 : memref<!tpu.dma_semaphore, #tpu.memory_space<semaphore_mem>>)
      %add3A_248 = arith.constant 4 : i32
      %add3A_249 = arith.addi %add3A_226, %add3A_248 : i32
      %min3A_250 = arith.constant 79 : i32
      %min3A_251 = arith.minsi %add3A_249, %min3A_250 : i32
      %add3A_252 = arith.addi %mul3A_4, %min3A_251 : i32
      %dma_start3A_253 = arith.constant 0 : i32
      %dma_start3A_254 = tpu.memref_slice %arg3[%add3A_252, %dma_start3A_253] : memref<2560x128xi32, #tpu.memory_space<hbm>> -> memref<1x128xi32, #tpu.memory_space<hbm>>
      %dma_start3A_255 = tpu.memref_squeeze %dma_start3A_254 : memref<1x128xi32, #tpu.memory_space<hbm>> -> memref<128xi32, #tpu.memory_space<hbm>>
      %dma_start3A_256 = arith.constant 0 : i32
      %dma_start3A_257 = tpu.memref_slice %arg3[%add3A_252, %dma_start3A_256] : memref<2560x128xi32, #tpu.memory_space<hbm>> -> memref<1x128xi32, #tpu.memory_space<hbm>>
      %dma_start3A_258 = tpu.memref_squeeze %dma_start3A_257 : memref<1x128xi32, #tpu.memory_space<hbm>> -> memref<128xi32, #tpu.memory_space<hbm>>
      tpu.enqueue_dma source(%dma_start3A_258 : memref<128xi32, #tpu.memory_space<hbm>>) target(%arg11 : memref<128xi32, #tpu.memory_space<vmem>>) target_semaphore(%arg22 : memref<!tpu.dma_semaphore, #tpu.memory_space<semaphore_mem>>)
      %add3A_259 = arith.addi %mul3A_4, %min3A_251 : i32
      %dma_start3A_260 = arith.constant 0 : i32
      %dma_start3A_261 = tpu.memref_slice %arg4[%add3A_259, %dma_start3A_260] : memref<2560x128xi32, #tpu.memory_space<hbm>> -> memref<1x128xi32, #tpu.memory_space<hbm>>
      %dma_start3A_262 = tpu.memref_squeeze %dma_start3A_261 : memref<1x128xi32, #tpu.memory_space<hbm>> -> memref<128xi32, #tpu.memory_space<hbm>>
      %dma_start3A_263 = arith.constant 0 : i32
      %dma_start3A_264 = tpu.memref_slice %arg4[%add3A_259, %dma_start3A_263] : memref<2560x128xi32, #tpu.memory_space<hbm>> -> memref<1x128xi32, #tpu.memory_space<hbm>>
      %dma_start3A_265 = tpu.memref_squeeze %dma_start3A_264 : memref<1x128xi32, #tpu.memory_space<hbm>> -> memref<128xi32, #tpu.memory_space<hbm>>
      tpu.enqueue_dma source(%dma_start3A_265 : memref<128xi32, #tpu.memory_space<hbm>>) target(%arg15 : memref<128xi32, #tpu.memory_space<vmem>>) target_semaphore(%arg22 : memref<!tpu.dma_semaphore, #tpu.memory_space<semaphore_mem>>)
      %add3A_266 = arith.constant 3 : i32
      %add3A_267 = arith.addi %mul3A_143, %add3A_266 : i32
      %dma_wait3A_268 = arith.constant 0 : i32
      %dma_wait3A_269 = arith.constant 0 : i32
      %dma_wait3A_270 = tpu.memref_slice %arg2[%dma_wait3A_268, %dma_wait3A_269] : memref<10240x144xf32, #tpu.memory_space<hbm>> -> memref<10240x144xf32, #tpu.memory_space<hbm>>
      tpu.wait_indirect_dma semaphore(%arg19 : memref<!tpu.dma_semaphore, #tpu.memory_space<semaphore_mem>>) src(%dma_wait3A_270 : memref<10240x144xf32, #tpu.memory_space<hbm>>) dst(%arg8 : memref<128x144xf32, #tpu.memory_space<vmem>>)
      %dma_wait3A_271 = arith.constant 0 : i32
      %dma_wait3A_272 = tpu.memref_slice %arg3[%mul3A_4, %dma_wait3A_271] : memref<2560x128xi32, #tpu.memory_space<hbm>> -> memref<1x128xi32, #tpu.memory_space<hbm>>
      %dma_wait3A_273 = tpu.memref_squeeze %dma_wait3A_272 : memref<1x128xi32, #tpu.memory_space<hbm>> -> memref<128xi32, #tpu.memory_space<hbm>>
      %dma_wait3A_274 = arith.constant 0 : i32
      %dma_wait3A_275 = tpu.memref_slice %arg3[%mul3A_4, %dma_wait3A_274] : memref<2560x128xi32, #tpu.memory_space<hbm>> -> memref<1x128xi32, #tpu.memory_space<hbm>>
      %dma_wait3A_276 = tpu.memref_squeeze %dma_wait3A_275 : memref<1x128xi32, #tpu.memory_space<hbm>> -> memref<128xi32, #tpu.memory_space<hbm>>
      tpu.wait_dma2 semaphore(%arg21 : memref<!tpu.dma_semaphore, #tpu.memory_space<semaphore_mem>>) src(%dma_wait3A_276 : memref<128xi32, #tpu.memory_space<hbm>>) dst(%arg10 : memref<128xi32, #tpu.memory_space<vmem>>)
      %dma_wait3A_277 = arith.constant 0 : i32
      %dma_wait3A_278 = tpu.memref_slice %arg4[%mul3A_4, %dma_wait3A_277] : memref<2560x128xi32, #tpu.memory_space<hbm>> -> memref<1x128xi32, #tpu.memory_space<hbm>>
      %dma_wait3A_279 = tpu.memref_squeeze %dma_wait3A_278 : memref<1x128xi32, #tpu.memory_space<hbm>> -> memref<128xi32, #tpu.memory_space<hbm>>
      %dma_wait3A_280 = arith.constant 0 : i32
      %dma_wait3A_281 = tpu.memref_slice %arg4[%mul3A_4, %dma_wait3A_280] : memref<2560x128xi32, #tpu.memory_space<hbm>> -> memref<1x128xi32, #tpu.memory_space<hbm>>
      %dma_wait3A_282 = tpu.memref_squeeze %dma_wait3A_281 : memref<1x128xi32, #tpu.memory_space<hbm>> -> memref<128xi32, #tpu.memory_space<hbm>>
      tpu.wait_dma2 semaphore(%arg21 : memref<!tpu.dma_semaphore, #tpu.memory_space<semaphore_mem>>) src(%dma_wait3A_282 : memref<128xi32, #tpu.memory_space<hbm>>) dst(%arg14 : memref<128xi32, #tpu.memory_space<vmem>>)
      %dma_start3A_283 = arith.constant 0 : i32
      %dma_start3A_284 = arith.constant 0 : i32
      %dma_start3A_285 = tpu.memref_slice %arg2[%dma_start3A_283, %dma_start3A_284] : memref<10240x144xf32, #tpu.memory_space<hbm>> -> memref<128x144xf32, #tpu.memory_space<hbm>>
      %dma_start3A_286 = arith.constant 0 : i32
      %dma_start3A_287 = arith.constant 0 : i32
      %dma_start3A_288 = tpu.memref_slice %arg2[%dma_start3A_286, %dma_start3A_287] : memref<10240x144xf32, #tpu.memory_space<hbm>> -> memref<128x144xf32, #tpu.memory_space<hbm>>
      tpu.enqueue_dma source(%dma_start3A_288 : memref<128x144xf32, #tpu.memory_space<hbm>>) target(%arg8 : memref<128x144xf32, #tpu.memory_space<vmem>>) target_semaphore(%arg19 : memref<!tpu.dma_semaphore, #tpu.memory_space<semaphore_mem>>)
      %add3A_289 = arith.constant 4 : i32
      %add3A_290 = arith.addi %add3A_267, %add3A_289 : i32
      %min3A_291 = arith.constant 79 : i32
      %min3A_292 = arith.minsi %add3A_290, %min3A_291 : i32
      %add3A_293 = arith.addi %mul3A_4, %min3A_292 : i32
      %dma_start3A_294 = arith.constant 0 : i32
      %dma_start3A_295 = tpu.memref_slice %arg3[%add3A_293, %dma_start3A_294] : memref<2560x128xi32, #tpu.memory_space<hbm>> -> memref<1x128xi32, #tpu.memory_space<hbm>>
      %dma_start3A_296 = tpu.memref_squeeze %dma_start3A_295 : memref<1x128xi32, #tpu.memory_space<hbm>> -> memref<128xi32, #tpu.memory_space<hbm>>
      %dma_start3A_297 = arith.constant 0 : i32
      %dma_start3A_298 = tpu.memref_slice %arg3[%add3A_293, %dma_start3A_297] : memref<2560x128xi32, #tpu.memory_space<hbm>> -> memref<1x128xi32, #tpu.memory_space<hbm>>
      %dma_start3A_299 = tpu.memref_squeeze %dma_start3A_298 : memref<1x128xi32, #tpu.memory_space<hbm>> -> memref<128xi32, #tpu.memory_space<hbm>>
      tpu.enqueue_dma source(%dma_start3A_299 : memref<128xi32, #tpu.memory_space<hbm>>) target(%arg12 : memref<128xi32, #tpu.memory_space<vmem>>) target_semaphore(%arg23 : memref<!tpu.dma_semaphore, #tpu.memory_space<semaphore_mem>>)
      %add3A_300 = arith.addi %mul3A_4, %min3A_292 : i32
      %dma_start3A_301 = arith.constant 0 : i32
      %dma_start3A_302 = tpu.memref_slice %arg4[%add3A_300, %dma_start3A_301] : memref<2560x128xi32, #tpu.memory_space<hbm>> -> memref<1x128xi32, #tpu.memory_space<hbm>>
      %dma_start3A_303 = tpu.memref_squeeze %dma_start3A_302 : memref<1x128xi32, #tpu.memory_space<hbm>> -> memref<128xi32, #tpu.memory_space<hbm>>
      %dma_start3A_304 = arith.constant 0 : i32
      %dma_start3A_305 = tpu.memref_slice %arg4[%add3A_300, %dma_start3A_304] : memref<2560x128xi32, #tpu.memory_space<hbm>> -> memref<1x128xi32, #tpu.memory_space<hbm>>
      %dma_start3A_306 = tpu.memref_squeeze %dma_start3A_305 : memref<1x128xi32, #tpu.memory_space<hbm>> -> memref<128xi32, #tpu.memory_space<hbm>>
      tpu.enqueue_dma source(%dma_start3A_306 : memref<128xi32, #tpu.memory_space<hbm>>) target(%arg16 : memref<128xi32, #tpu.memory_space<vmem>>) target_semaphore(%arg23 : memref<!tpu.dma_semaphore, #tpu.memory_space<semaphore_mem>>)
    }
    %scan3A_107 = arith.constant 20 : i32
    %dma_wait3A_108 = arith.constant 0 : i32
    %dma_wait3A_109 = tpu.memref_slice %arg3[%mul3A_4, %dma_wait3A_108] : memref<2560x128xi32, #tpu.memory_space<hbm>> -> memref<1x128xi32, #tpu.memory_space<hbm>>
    %dma_wait3A_110 = tpu.memref_squeeze %dma_wait3A_109 : memref<1x128xi32, #tpu.memory_space<hbm>> -> memref<128xi32, #tpu.memory_space<hbm>>
    %dma_wait3A_111 = arith.constant 0 : i32
    %dma_wait3A_112 = tpu.memref_slice %arg3[%mul3A_4, %dma_wait3A_111] : memref<2560x128xi32, #tpu.memory_space<hbm>> -> memref<1x128xi32, #tpu.memory_space<hbm>>
    %dma_wait3A_113 = tpu.memref_squeeze %dma_wait3A_112 : memref<1x128xi32, #tpu.memory_space<hbm>> -> memref<128xi32, #tpu.memory_space<hbm>>
    tpu.wait_dma2 semaphore(%arg22 : memref<!tpu.dma_semaphore, #tpu.memory_space<semaphore_mem>>) src(%dma_wait3A_113 : memref<128xi32, #tpu.memory_space<hbm>>) dst(%arg11 : memref<128xi32, #tpu.memory_space<vmem>>)
    %dma_wait3A_114 = arith.constant 0 : i32
    %dma_wait3A_115 = tpu.memref_slice %arg4[%mul3A_4, %dma_wait3A_114] : memref<2560x128xi32, #tpu.memory_space<hbm>> -> memref<1x128xi32, #tpu.memory_space<hbm>>
    %dma_wait3A_116 = tpu.memref_squeeze %dma_wait3A_115 : memref<1x128xi32, #tpu.memory_space<hbm>> -> memref<128xi32, #tpu.memory_space<hbm>>
    %dma_wait3A_117 = arith.constant 0 : i32
    %dma_wait3A_118 = tpu.memref_slice %arg4[%mul3A_4, %dma_wait3A_117] : memref<2560x128xi32, #tpu.memory_space<hbm>> -> memref<1x128xi32, #tpu.memory_space<hbm>>
    %dma_wait3A_119 = tpu.memref_squeeze %dma_wait3A_118 : memref<1x128xi32, #tpu.memory_space<hbm>> -> memref<128xi32, #tpu.memory_space<hbm>>
    tpu.wait_dma2 semaphore(%arg22 : memref<!tpu.dma_semaphore, #tpu.memory_space<semaphore_mem>>) src(%dma_wait3A_119 : memref<128xi32, #tpu.memory_space<hbm>>) dst(%arg15 : memref<128xi32, #tpu.memory_space<vmem>>)
    %dma_wait3A_120 = arith.constant 0 : i32
    %dma_wait3A_121 = tpu.memref_slice %arg3[%mul3A_4, %dma_wait3A_120] : memref<2560x128xi32, #tpu.memory_space<hbm>> -> memref<1x128xi32, #tpu.memory_space<hbm>>
    %dma_wait3A_122 = tpu.memref_squeeze %dma_wait3A_121 : memref<1x128xi32, #tpu.memory_space<hbm>> -> memref<128xi32, #tpu.memory_space<hbm>>
    %dma_wait3A_123 = arith.constant 0 : i32
    %dma_wait3A_124 = tpu.memref_slice %arg3[%mul3A_4, %dma_wait3A_123] : memref<2560x128xi32, #tpu.memory_space<hbm>> -> memref<1x128xi32, #tpu.memory_space<hbm>>
    %dma_wait3A_125 = tpu.memref_squeeze %dma_wait3A_124 : memref<1x128xi32, #tpu.memory_space<hbm>> -> memref<128xi32, #tpu.memory_space<hbm>>
    tpu.wait_dma2 semaphore(%arg23 : memref<!tpu.dma_semaphore, #tpu.memory_space<semaphore_mem>>) src(%dma_wait3A_125 : memref<128xi32, #tpu.memory_space<hbm>>) dst(%arg12 : memref<128xi32, #tpu.memory_space<vmem>>)
    %dma_wait3A_126 = arith.constant 0 : i32
    %dma_wait3A_127 = tpu.memref_slice %arg4[%mul3A_4, %dma_wait3A_126] : memref<2560x128xi32, #tpu.memory_space<hbm>> -> memref<1x128xi32, #tpu.memory_space<hbm>>
    %dma_wait3A_128 = tpu.memref_squeeze %dma_wait3A_127 : memref<1x128xi32, #tpu.memory_space<hbm>> -> memref<128xi32, #tpu.memory_space<hbm>>
    %dma_wait3A_129 = arith.constant 0 : i32
    %dma_wait3A_130 = tpu.memref_slice %arg4[%mul3A_4, %dma_wait3A_129] : memref<2560x128xi32, #tpu.memory_space<hbm>> -> memref<1x128xi32, #tpu.memory_space<hbm>>
    %dma_wait3A_131 = tpu.memref_squeeze %dma_wait3A_130 : memref<1x128xi32, #tpu.memory_space<hbm>> -> memref<128xi32, #tpu.memory_space<hbm>>
    tpu.wait_dma2 semaphore(%arg23 : memref<!tpu.dma_semaphore, #tpu.memory_space<semaphore_mem>>) src(%dma_wait3A_131 : memref<128xi32, #tpu.memory_space<hbm>>) dst(%arg16 : memref<128xi32, #tpu.memory_space<vmem>>)
    %dma_wait3A_132 = arith.constant 0 : i32
    %dma_wait3A_133 = arith.constant 0 : i32
    %dma_wait3A_134 = tpu.memref_slice %arg2[%dma_wait3A_132, %dma_wait3A_133] : memref<10240x144xf32, #tpu.memory_space<hbm>> -> memref<10240x144xf32, #tpu.memory_space<hbm>>
    tpu.wait_indirect_dma semaphore(%arg18 : memref<!tpu.dma_semaphore, #tpu.memory_space<semaphore_mem>>) src(%dma_wait3A_134 : memref<10240x144xf32, #tpu.memory_space<hbm>>) dst(%arg7 : memref<128x144xf32, #tpu.memory_space<vmem>>)
    %dma_wait3A_135 = arith.constant 0 : i32
    %dma_wait3A_136 = arith.constant 0 : i32
    %dma_wait3A_137 = tpu.memref_slice %arg2[%dma_wait3A_135, %dma_wait3A_136] : memref<10240x144xf32, #tpu.memory_space<hbm>> -> memref<10240x144xf32, #tpu.memory_space<hbm>>
    tpu.wait_indirect_dma semaphore(%arg19 : memref<!tpu.dma_semaphore, #tpu.memory_space<semaphore_mem>>) src(%dma_wait3A_137 : memref<10240x144xf32, #tpu.memory_space<hbm>>) dst(%arg8 : memref<128x144xf32, #tpu.memory_space<vmem>>)
    %barrier3A_138 = arith.constant 0 : index
    tpu.barrier barrier_id(%barrier3A_138)
    %mul3A_139 = arith.constant 640 : i32
    %mul3A_140 = arith.muli %arg1, %mul3A_139 : i32
    "tpu.region"() ({
      %run_scoped3A = tpu.sem_alloc : memref<!tpu.dma_semaphore, #tpu.memory_space<semaphore_mem>>
      %dma_start3A_141 = arith.constant 0 : i32
      %dma_start3A_142 = tpu.memref_slice %arg6[%arg0, %mul3A_140, %dma_start3A_141] : memref<2x10240x144xf32, #tpu.memory_space<hbm>> -> memref<1x640x144xf32, #tpu.memory_space<hbm>>
      %dma_start3A_143 = tpu.memref_squeeze %dma_start3A_142 : memref<1x640x144xf32, #tpu.memory_space<hbm>> -> memref<640x144xf32, #tpu.memory_space<hbm>>
      %dma_start3A_144 = arith.constant 0 : i32
      %dma_start3A_145 = tpu.memref_slice %arg17[%mul3A_140, %dma_start3A_144] : memref<10240x144xf32, #tpu.memory_space<vmem_shared>> -> memref<640x144xf32, #tpu.memory_space<vmem_shared>>
      tpu.enqueue_dma source(%dma_start3A_145 : memref<640x144xf32, #tpu.memory_space<vmem_shared>>) target(%dma_start3A_143 : memref<640x144xf32, #tpu.memory_space<hbm>>) target_semaphore(%run_scoped3A : memref<!tpu.dma_semaphore, #tpu.memory_space<semaphore_mem>>)
      %dma_wait3A_146 = arith.constant 0 : i32
      %dma_wait3A_147 = tpu.memref_slice %arg6[%arg0, %mul3A_140, %dma_wait3A_146] : memref<2x10240x144xf32, #tpu.memory_space<hbm>> -> memref<1x640x144xf32, #tpu.memory_space<hbm>>
      %dma_wait3A_148 = tpu.memref_squeeze %dma_wait3A_147 : memref<1x640x144xf32, #tpu.memory_space<hbm>> -> memref<640x144xf32, #tpu.memory_space<hbm>>
      %dma_wait3A_149 = arith.constant 0 : i32
      %dma_wait3A_150 = tpu.memref_slice %arg17[%mul3A_140, %dma_wait3A_149] : memref<10240x144xf32, #tpu.memory_space<vmem_shared>> -> memref<640x144xf32, #tpu.memory_space<vmem_shared>>
      tpu.wait_dma2 semaphore(%run_scoped3A : memref<!tpu.dma_semaphore, #tpu.memory_space<semaphore_mem>>) src(%dma_wait3A_150 : memref<640x144xf32, #tpu.memory_space<vmem_shared>>) dst(%dma_wait3A_148 : memref<640x144xf32, #tpu.memory_space<hbm>>)
      tpu.yield
    }) : () -> ()
    return
  }
}

module attributes {stable_mosaic.version = 14 : i64} {
  func.func @_tc_body(%arg0: i32, %arg1: memref<512x144xf32, #tpu.memory_space<vmem>>, %arg2: memref<2x512x144xf32, #tpu.memory_space<vmem>>, %arg3: memref<128x128xf32, #tpu.memory_space<vmem>>, %arg4: memref<128x128xf32, #tpu.memory_space<vmem>>, %arg5: memref<1x128xf32, #tpu.memory_space<vmem>>, %arg6: memref<128x16xf32, #tpu.memory_space<vmem>>, %arg7: memref<1x16xf32, #tpu.memory_space<vmem>>, %arg8: memref<512x16xf32, #tpu.memory_space<vmem>>) attributes {dimension_semantics = [#tpu.dimension_semantics<arbitrary>], iteration_bounds = array<i64: 20>, scalar_prefetch = 0 : i64, scratch_operands = 0 : i64, tpu.core_type = #tpu.core_type<tc>, window_params = [{transform_indices = @transform_0, window_bounds = array<i64: 512, 144>}, {transform_indices = @transform_1, window_bounds = array<i64: 2, 512, 144>}, {pipeline_mode = #tpu.pipeline_mode<synchronous>, transform_indices = @transform_2, window_bounds = array<i64: 128, 128>}, {pipeline_mode = #tpu.pipeline_mode<synchronous>, transform_indices = @transform_3, window_bounds = array<i64: 128, 128>}, {pipeline_mode = #tpu.pipeline_mode<synchronous>, transform_indices = @transform_4, window_bounds = array<i64: 1, 128>}, {pipeline_mode = #tpu.pipeline_mode<synchronous>, transform_indices = @transform_5, window_bounds = array<i64: 128, 16>}, {pipeline_mode = #tpu.pipeline_mode<synchronous>, transform_indices = @transform_6, window_bounds = array<i64: 1, 16>}, {transform_indices = @transform_7, window_bounds = array<i64: 512, 16>}]} {
    %get3A = arith.constant 0 : index
    %get3A_0 = arith.constant 0 : index
    %get3A_1 = arith.constant 0 : index
    %get3A_2 = vector.load %arg2[%get3A, %get3A_0, %get3A_1] : memref<2x512x144xf32, #tpu.memory_space<vmem>>, vector<2x512x144xf32>
    %reduce_sum3A = arith.constant dense<0.000000e+00> : vector<512x144xf32>
    %reduce_sum3A_3 = vector.multi_reduction <add>, %get3A_2, %reduce_sum3A [0] : vector<2x512x144xf32> to vector<512x144xf32>
    %slice3A = vector.extract_strided_slice %reduce_sum3A_3 {offsets = [0, 0], sizes = [512, 128], strides = [1, 1]} : vector<512x144xf32> to vector<512x128xf32>
    %slice3A_4 = vector.extract_strided_slice %reduce_sum3A_3 {offsets = [0, 128], sizes = [512, 1], strides = [1, 1]} : vector<512x144xf32> to vector<512x1xf32>
    %max3A = arith.constant 1.000000e+00 : f32
    %max3A_5 = vector.broadcast %max3A : f32 to vector<512x1xf32>
    %max3A_6 = arith.maximumf %slice3A_4, %max3A_5 : vector<512x1xf32>
    %div3A = arith.constant 1.000000e+00 : f32
    %div3A_7 = vector.broadcast %div3A : f32 to vector<512x1xf32>
    %div3A_8 = arith.divf %div3A_7, %max3A_6 : vector<512x1xf32>
    %mul3A = vector.broadcast %div3A_8 : vector<512x1xf32> to vector<512x128xf32>
    %mul3A_9 = arith.mulf %slice3A, %mul3A : vector<512x128xf32>
    %get3A_10 = arith.constant 0 : index
    %get3A_11 = arith.constant 0 : index
    %get3A_12 = vector.load %arg1[%get3A_10, %get3A_11] : memref<512x144xf32, #tpu.memory_space<vmem>>, vector<512x144xf32>
    %slice3A_13 = vector.extract_strided_slice %get3A_12 {offsets = [0, 0], sizes = [512, 128], strides = [1, 1]} : vector<512x144xf32> to vector<512x128xf32>
    %get3A_14 = arith.constant 0 : index
    %get3A_15 = arith.constant 0 : index
    %get3A_16 = vector.load %arg3[%get3A_14, %get3A_15] : memref<128x128xf32, #tpu.memory_space<vmem>>, vector<128x128xf32>
    %dot_general3A = arith.constant dense<0.000000e+00> : vector<512x128xf32>
    %dot_general3A_17 = tpu.matmul %slice3A_13, %get3A_16, %dot_general3A {dimension_numbers = #tpu.dot_dimension_numbers<[1], [0], [0], [1], [0, 0, 1, 1], [], []>, transpose_lhs_hint = false} : vector<512x128xf32>, vector<128x128xf32>, vector<512x128xf32> -> vector<512x128xf32>
    %get3A_18 = arith.constant 0 : index
    %get3A_19 = arith.constant 0 : index
    %get3A_20 = vector.load %arg4[%get3A_18, %get3A_19] : memref<128x128xf32, #tpu.memory_space<vmem>>, vector<128x128xf32>
    %dot_general3A_21 = arith.constant dense<0.000000e+00> : vector<512x128xf32>
    %dot_general3A_22 = tpu.matmul %mul3A_9, %get3A_20, %dot_general3A_21 {dimension_numbers = #tpu.dot_dimension_numbers<[1], [0], [0], [1], [0, 0, 1, 1], [], []>, transpose_lhs_hint = false} : vector<512x128xf32>, vector<128x128xf32>, vector<512x128xf32> -> vector<512x128xf32>
    %add3A = arith.addf %dot_general3A_17, %dot_general3A_22 : vector<512x128xf32>
    %get3A_23 = arith.constant 0 : index
    %get3A_24 = arith.constant 0 : index
    %get3A_25 = vector.load %arg5[%get3A_23, %get3A_24] : memref<1x128xf32, #tpu.memory_space<vmem>>, vector<1x128xf32>
    %add3A_26 = vector.broadcast %get3A_25 : vector<1x128xf32> to vector<512x128xf32>
    %add3A_27 = arith.addf %add3A, %add3A_26 : vector<512x128xf32>
    %max3A_28 = arith.constant 0.000000e+00 : f32
    %max3A_29 = vector.broadcast %max3A_28 : f32 to vector<512x128xf32>
    %max3A_30 = arith.maximumf %add3A_27, %max3A_29 : vector<512x128xf32>
    %get3A_31 = arith.constant 0 : index
    %get3A_32 = arith.constant 0 : index
    %get3A_33 = vector.load %arg6[%get3A_31, %get3A_32] : memref<128x16xf32, #tpu.memory_space<vmem>>, vector<128x16xf32>
    %dot_general3A_34 = arith.constant dense<0.000000e+00> : vector<512x16xf32>
    %dot_general3A_35 = tpu.matmul %max3A_30, %get3A_33, %dot_general3A_34 {dimension_numbers = #tpu.dot_dimension_numbers<[1], [0], [0], [1], [0, 0, 1, 1], [], []>, transpose_lhs_hint = false} : vector<512x128xf32>, vector<128x16xf32>, vector<512x16xf32> -> vector<512x16xf32>
    %get3A_36 = arith.constant 0 : index
    %get3A_37 = arith.constant 0 : index
    %get3A_38 = vector.load %arg7[%get3A_36, %get3A_37] : memref<1x16xf32, #tpu.memory_space<vmem>>, vector<1x16xf32>
    %add3A_39 = vector.broadcast %get3A_38 : vector<1x16xf32> to vector<512x16xf32>
    %add3A_40 = arith.addf %dot_general3A_35, %add3A_39 : vector<512x16xf32>
    %logistic3A = arith.negf %add3A_40 : vector<512x16xf32>
    %logistic3A_41 = math.exp %logistic3A : vector<512x16xf32>
    %logistic3A_42 = arith.constant 1.000000e+00 : f32
    %logistic3A_43 = vector.broadcast %logistic3A_42 : f32 to vector<512x16xf32>
    %logistic3A_44 = arith.addf %logistic3A_43, %logistic3A_41 : vector<512x16xf32>
    %logistic3A_45 = arith.divf %logistic3A_43, %logistic3A_44 : vector<512x16xf32>
    %swap3A = arith.constant 0 : index
    %swap3A_46 = arith.constant 0 : index
    %swap3A_47 = vector.load %arg8[%swap3A, %swap3A_46] : memref<512x16xf32, #tpu.memory_space<vmem>>, vector<512x16xf32>
    tpu.vector_store %arg8[%swap3A, %swap3A_46], %logistic3A_45 {strides = array<i32>} : memref<512x16xf32, #tpu.memory_space<vmem>>, vector<512x16xf32>,
    return
  }
  func.func @transform_0(%arg0: i32) -> (i32, i32) {
    %c0_i32 = arith.constant 0 : i32
    %c0_i32_0 = arith.constant 0 : i32
    return %arg0, %c0_i32 : i32, i32
  }
  func.func @transform_1(%arg0: i32) -> (i32, i32, i32) {
    %c0_i32 = arith.constant 0 : i32
    %c0_i32_0 = arith.constant 0 : i32
    %c0_i32_1 = arith.constant 0 : i32
    return %c0_i32, %arg0, %c0_i32_0 : i32, i32, i32
  }
  func.func @transform_2(%arg0: i32) -> (i32, i32) {
    %c0_i32 = arith.constant 0 : i32
    %c0_i32_0 = arith.constant 0 : i32
    %c0_i32_1 = arith.constant 0 : i32
    return %c0_i32, %c0_i32_0 : i32, i32
  }
  func.func @transform_3(%arg0: i32) -> (i32, i32) {
    %c0_i32 = arith.constant 0 : i32
    %c0_i32_0 = arith.constant 0 : i32
    %c0_i32_1 = arith.constant 0 : i32
    return %c0_i32, %c0_i32_0 : i32, i32
  }
  func.func @transform_4(%arg0: i32) -> (i32, i32) {
    %c0_i32 = arith.constant 0 : i32
    %c0_i32_0 = arith.constant 0 : i32
    %c0_i32_1 = arith.constant 0 : i32
    return %c0_i32, %c0_i32_0 : i32, i32
  }
  func.func @transform_5(%arg0: i32) -> (i32, i32) {
    %c0_i32 = arith.constant 0 : i32
    %c0_i32_0 = arith.constant 0 : i32
    %c0_i32_1 = arith.constant 0 : i32
    return %c0_i32, %c0_i32_0 : i32, i32
  }
  func.func @transform_6(%arg0: i32) -> (i32, i32) {
    %c0_i32 = arith.constant 0 : i32
    %c0_i32_0 = arith.constant 0 : i32
    %c0_i32_1 = arith.constant 0 : i32
    return %c0_i32, %c0_i32_0 : i32, i32
  }
  func.func @transform_7(%arg0: i32) -> (i32, i32) {
    %c0_i32 = arith.constant 0 : i32
    %c0_i32_0 = arith.constant 0 : i32
    return %arg0, %c0_i32 : i32, i32
  }
}

</mosaic_0001>

<sc_bundles>
// kernel: kernel.4.cloned.1.call-start
scs
__scs_entry_jumppad:
0x0: {  	(pc) =	sbr.rel $0x88, $3  }
0x1: {  	(tag) =	ssettag $0x0;
	lr =	simm.s32 $0x1  }
0x2: {  	[smem:$0x3F9A] =	sst lr;
	_ =	strace $0xD0000000  }
0x3: {  	_ = 	snop  }
0x4: {  	_ = 	snop  }
0x5: {  	_ = 	snop  }
0x6: {  	_ = 	snop  }
0x7: {  	_ = 	snop  }
__scs_overlays_trampoline_lowered:
0x8: {  	[smem:$0x3FA9] =	sst s0  }
0x9: {  	[smem:$0x3FAA] =	sst s1  }
0xa: {  	[smem:$0x3FAB] =	sst s2  }
0xb: {  	[smem:$0x3FAC] =	sst s3  }
0xc: {  	[smem:$0x3FAD] =	sst s4  }
0xd: {  	[smem:$0x3FAE] =	sst s5  }
0xe: {  	[smem:$0x3FAF] =	sst s6  }
0xf: {  	[smem:$0x3FB0] =	sst s7  }
0x10: {  	[smem:$0x3FB1] =	sst s8  }
0x11: {  	[smem:$0x3FB2] =	sst s9;
	s0 =	simm.s32 @!p0 $0x0  }
0x12: {  	s1 =	sld [smem:$0x3F98];
	s0 =	simm.s32 @p0 $0x1  }
0x13: {  	[smem:$0x3FB3] =	sst s0;
	s0 =	simm.s32 @!p1 $0x0  }
0x14: {  	s2 =	sld [smem:$0x3F97];
	s0 =	simm.s32 @p1 $0x1  }
0x15: {  	[smem:$0x3FB4] =	sst s0;
	s0 =	simm.s32 @!p2 $0x0  }
0x16: {  	s3 =	sld [smem:$0x3FDB];
	s0 =	simm.s32 @p2 $0x1  }
0x17: {  	s4 =	simm.s32 $0x1BF5;
	[smem:$0x3FB6] =	sst s0  }
0x18: {  	s0 =	sld [smem:$0x3F99];
	_ =	swait.ge [sflag:s4], $0x0  }
0x19: {  	s7 =	sld [smem:$0x3F9A]  }
0x1a: {  	s8 =	sadd.s32 $0xFFFFE003, lr  }
0x1b: {  	s9 =	sadd.s32 $0xFFFFFEF7, lr;
	s5 =	simm.s32 $0xFFFFFFFF;
	p2 =	slt.u32 s8, $0xFFFFF086  }
0x1c: {  	p1 =	slt.u32 s9, $0xF7A;
	s5 =	simm.s32 @!p2 $0x0  }
0x1d: {  	s5 =	simm.s32 @p1 $0x1;
	p0 =	seq.s32 s7, s2  }
0x1e: {  	s7 =	smul.u32 @!p0 $0xF7A, s2;
	p2 =	seq.s32 @!p0 s5, $0x0  }
0x1f: {  	s9 =	smul.u32 $0xF7A, s1;
	s8 =	simm.s32 @!p0 $0x1BF5;
	p2 =	por !p2, p0  }
0x20: {  	[sflag:s8] =	ssyncset.s32 @!p0 $0xFFFFF086;
	s6 =	sadd.s32 @!p0 s3, s7;
	s7 =	simm.s32 @!p0 $0x108  }
0x21: {  	s3 =	sadd.s32 s3, s9;
	s6 =	sadd.s32 @!p0 $0x88, s6;
	s7 =	simm.s32 @p2 $0x1082  }
0x22: {  	[simem:s7], [sflag:s8] =	dma.local @!p0 [hbm:s6], $0xF7A  }
0x23: {  	s9 =	sor.u32 $0xD0000000, s2;
	s6 =	simm.s32 $0x108;
	_ =	swait.ge @!p0 [sflag:s8], $0x0  }
0x24: {  	s3 =	sadd.s32 $0x88, s3;
	s6 =	simm.s32 @!p1 $0x1082;
	[sflag:s4] =	ssyncset.s32 $0xFFFFF086  }
0x25: {  	[simem:s6], [sflag:s4] =	dma.local [hbm:s3], $0xF7A  }
0x26: {  	[smem:$0x3F9A] =	sst s1;
	(tag) =	ssettag s2;
	_ =	strace s9  }
0x27: {  	s1 =	sld [smem:$0x3FAA]  }
0x28: {  	s2 =	sld [smem:$0x3FAB]  }
0x29: {  	s4 =	sld [smem:$0x3FAD]  }
0x2a: {  	p0 =	seq.s32 s5, $0x0;
	s5 =	sld [smem:$0x3FAE]  }
0x2b: {  	s6 =	sld [smem:$0x3FAF]  }
0x2c: {  	s7 =	sld [smem:$0x3FB0]  }
0x2d: {  	s3 =	simm.s32 $0x108;
	s8 =	sld [smem:$0x3FB1]  }
0x2e: {  	s3 =	simm.s32 @!p0 $0x1082;
	s9 =	sld [smem:$0x3FB2]  }
0x2f: {  	lr =	sadd.s32 s0, s3;
	s0 =	sld [smem:$0x3FA9]  }
0x30: {  	s3 =	sld [smem:$0x3FAC]  }
0x31: {  	[smem:$0x3FB5] =	sst s10  }
0x32: {  	s10 =	sld [smem:$0x3FB3];
	_ =	sdelay $0x3  }
0x33: {  	p0 =	seq.s32 s10, $0x1;
	s10 =	sld [smem:$0x3FB5];
	_ =	sdelay $0x3  }
0x34: {  	[smem:$0x3FB5] =	sst s10  }
0x35: {  	s10 =	sld [smem:$0x3FB4];
	_ =	sdelay $0x3  }
0x36: {  	p1 =	seq.s32 s10, $0x1;
	s10 =	sld [smem:$0x3FB5];
	_ =	sdelay $0x3  }
0x37: {  	[smem:$0x3FB5] =	sst s10  }
0x38: {  	s10 =	sld [smem:$0x3FB6]  }
0x39: {  	_ = 	snop;
	(pc) =	sbr.ind lr, $3  }
0x3a: {  	_ = 	snop  }
0x3b: {  	_ = 	snop  }
0x3c: {  	p2 =	seq.s32 s10, $0x1;
	s10 =	sld [smem:$0x3FB5]  }
0x3d: {  	_ =	shalt  }
0x3e: {  	_ =	shalt  }
0x3f: {  	_ =	shalt  }
0x40: {  	_ =	shalt  }
0x41: {  	_ =	shalt  }
0x42: {  	_ =	shalt  }
0x43: {  	_ =	shalt  }
0x44: {  	_ =	shalt  }
0x45: {  	_ =	shalt  }
0x46: {  	_ =	shalt  }
0x47: {  	_ =	shalt  }
0x48: {  	_ =	shalt  }
0x49: {  	_ =	shalt  }
0x4a: {  	_ =	shalt  }
0x4b: {  	_ =	shalt  }
0x4c: {  	_ =	shalt  }
0x4d: {  	_ =	shalt  }
0x4e: {  	_ =	shalt  }
0x4f: {  	_ =	shalt  }
0x50: {  	_ =	shalt  }
0x51: {  	_ =	shalt  }
0x52: {  	_ =	shalt  }
0x53: {  	_ =	shalt  }
0x54: {  	_ =	shalt  }
0x55: {  	_ =	shalt  }
0x56: {  	_ =	shalt  }
0x57: {  	_ =	shalt  }
0x58: {  	_ =	shalt  }
0x59: {  	_ =	shalt  }
0x5a: {  	_ =	shalt  }
0x5b: {  	_ =	shalt  }
0x5c: {  	_ =	shalt  }
0x5d: {  	_ =	shalt  }
0x5e: {  	_ =	shalt  }
0x5f: {  	_ =	shalt  }
0x60: {  	_ =	shalt  }
0x61: {  	_ =	shalt  }
0x62: {  	_ =	shalt  }
0x63: {  	_ =	shalt  }
0x64: {  	_ =	shalt  }
0x65: {  	_ =	shalt  }
0x66: {  	_ =	shalt  }
0x67: {  	_ =	shalt  }
0x68: {  	_ =	shalt  }
0x69: {  	_ =	shalt  }
0x6a: {  	_ =	shalt  }
0x6b: {  	_ =	shalt  }
0x6c: {  	_ =	shalt  }
0x6d: {  	_ =	shalt  }
0x6e: {  	_ =	shalt  }
0x6f: {  	_ =	shalt  }
0x70: {  	_ =	shalt  }
0x71: {  	_ =	shalt  }
0x72: {  	_ =	shalt  }
0x73: {  	_ =	shalt  }
0x74: {  	_ =	shalt  }
0x75: {  	_ =	shalt  }
0x76: {  	_ =	shalt  }
0x77: {  	_ =	shalt  }
0x78: {  	_ =	shalt  }
0x79: {  	_ =	shalt  }
0x7a: {  	_ =	shalt  }
0x7b: {  	_ =	shalt  }
0x7c: {  	_ =	shalt  }
0x7d: {  	_ =	shalt  }
0x7e: {  	_ =	shalt  }
0x7f: {  	_ =	shalt  }
0x80: {  	_ =	shalt  }
0x81: {  	_ =	shalt  }
0x82: {  	_ =	shalt  }
0x83: {  	_ =	shalt  }
0x84: {  	_ =	shalt  }
0x85: {  	_ =	shalt  }
0x86: {  	_ =	shalt  }
0x87: {  	_ =	shalt  }
.Lfunc_end0:
.L_simem_size_0:
called_computation_lowered:
.L_overlay_start_0:
0x88: {  	s2 =	sld [smem:$0x3FD9]  }
0x89: {  	s3 =	sld [smem:$0x3FFE];
	_ =	sdelay $0x1  }
0x8a: {  	s1 =	srdreg.scid  }
0x8b: {  	s0 =	sand.u32 $0x1, s1  }
0x8c: {  	s16 =	sshll.u32 s0, $0xA;
	s2 =	sadd.s32 s3, s2  }
0x8d: {  	s2 =	sadd.s32 s2, s16  }
0x8e: {  	[smem:$0x3FC1] =	sst s2  }
0x8f: {  	_ = 	snop  }
0x90: {  	(tm) =	ssettm $0x1  }
0x91: {  	s17 =	sld [smem:$0x3FFB];
	_ =	sdelay $0x3  }
0x92: {  	_ =	strace s17  }
0x93: {  	s2 =	sld [smem:$0x3FFC];
	_ =	sdelay $0x3  }
0x94: {  	_ =	strace s2  }
0x95: {  	s2 =	sld [smem:$0x3FFD];
	_ =	sdelay $0x3  }
0x96: {  	_ =	strace s2  }
0x97: {  	_ =	strace $0x8FFFFFFF  }
0x98: {  	s18 =	sld [smem:$0x3FDB];
	_ =	sdelay $0x1  }
0x99: {  	s19 =	simm.s32 $_scs_section_size  }
0x9a: {  	s4 =	simm.s32 $_size__tile_overlayer_lowered;
	s5 =	simm.s32 $_tile_overlayer_lowered  }
0x9b: {  	s22 =	simm.s32 $0x1BFF;
	s21 =	sshll.u32 s5, $0x1;
	s2 =	sadd.s32 s19, s18  }
0x9c: {  	s6 =	simm.s32 $0x0;
	s20 =	sshll.u32 s4, $0x1;
	s4 =	sadd.s32 s21, s2  }
0x9d: {  	[timem:s6], [sflag:s22] =	dma.local [hbm:s4], s20  }
0x9e: {  	_ =	swait.ge [sflag:s22], s20  }
0x9f: {  	s3 =	ssub.s32 $0x0, s20;
	[sflag:s22] =	ssyncset.done $0x0  }
0xa0: {  	[sflag:s22] =	ssyncadd.s32 s3;
	_ =	sdelay $0x1  }
0xa1: {  	s23 =	simm.s32 $0x1B8B  }
0xa2: {  	_ =	swait.ge [sflag:s23], $0x1  }
0xa3: {  	[sflag:s23] =	ssyncset.done $0x0  }
0xa4: {  	s25 =	simm.s32 $0x1B8E;
	s24 =	sld [smem:$0x3FFE];
	[sflag:s23] =	ssyncadd.s32 $0xFFFFFFFF  }
0xa5: {  	s26 =	simm.s32 $execute0_lowered;
	[smem:$0x3FD2] =	sst s25  }
0xa6: {  	s4 =	sshll.u32 s26, $0x1;
	_ =	strace $0x80000046;
	[dreg:$0x1] =	wrdreg $0xFFFFFFFF  }
0xa7: {  	s28 =	simm.s32 $_size_execute0_lowered;
	s2 =	sadd.s32 s2, s4;
	[dreg:$0x0] =	wrdreg $0x0  }
0xa8: {  	s4 =	sshll.u32 s28, $0x1;
	[dreg:$0x2] =	wrdreg s2  }
0xa9: {  	[dreg:$0x3] =	wrdreg s4  }
0xaa: {  	[dreg:$0x4] =	wrdreg $0xC0  }
0xab: {  	_ =	task [dreg:s6], $0x5FFFF  }
0xac: {  	[dreg:$0x1] =	wrdreg $0xFFFFFFFF  }
0xad: {  	[dreg:$0x0] =	wrdreg $0x60  }
0xae: {  	[dreg:$0x2] =	wrdreg s24  }
0xaf: {  	[dreg:$0x3] =	wrdreg $0x94000  }
0xb0: {  	[dreg:$0x4] =	wrdreg $0x9  }
0xb1: {  	_ =	task.clear_ibuf [dreg:s6], $0x5FFFF;
	_ =	strace $0x90000046  }
0xb2: {  	s29 =	simm.s32 $0x9;
	_ =	strace $0x80000048  }
0xb3: {  	_ =	swait.ge [sflag:s29], $0x1  }
0xb4: {  	[sflag:s29] =	ssyncadd.s32 $0xFFFFFFFF  }
0xb5: {  	_ =	strace $0x90000048  }
0xb6: {  	_ =	sfence  }
0xb7: {  	s30 =	sld [smem:$0x0];
	_ =	sdelay $0x2  }
0xb8: {  	s31 =	sshll.u32 s1, $0xD;
	s1 =	sshrl.u32 s1, $0x2  }
0xb9: {  	s3 =	sand.u32 $0x4000, s31;
	s1 =	sadd.s32 s1, s30  }
0xba: {  	s0 =	sor.u32 s3, s0;
	s1 =	sshll.u32 s1, $0x11  }
0xbb: {  	s0 =	sor.u32 s1, s0  }
0xbc: {  	s0 =	sadd.s32 $0x8F2B, s0  }
0xbd: {  	[sflag:s0] =	ssyncadd.remote.s32 $0x1  }
0xbe: {  	_ =	sfence.sel $0xFFFF  }
0xbf: {  	[dreg:$0x0] =	wrdreg $0xFFFFFFFF;
	(pc) =	sbr.abs _section_cstart, $3  }
0xc0: {  	[dreg:$0x1] =	wrdreg $0xFFFFFFFF  }
0xc1: {  	_ =	task.clear_ibuf [dreg:s6], $0x2FFFF;
	_ =	strace $0x9FFFFFFF  }
0xc2: {  	(tm) =	ssettm $0x7FFFFFFF  }
0xc3: {  	_ =	shalt  }
tec
execute0_lowered:
.L_overlay_start_1:
0x0: {  	(tag) =	ssettag $0x1  }
0x1: {  	s0 =	rddreg [dreg:$0x0]  }
0x2: {  	s1 =	rddreg [dreg:$0x1];
	s2 =	simm.s32 $0x0  }
0x3: {  	s12 =	stileid.u32;
	s3 =	srdreg.scid;
	s28 =	simm.s32 $0x9380  }
0x4: {  	s29 =	simm.s32 $0x3;
	s30 =	simm.s32 $0x4;
	s31 =	simm.s32 $0x4800  }
0x5: {  	[smem:$0x7FF] =	sst s2;
	s6 =	smul.u32 $0x16800, s12;
	s7 =	sand.u32 $0x1, s3  }
0x6: {  	s3 =	sadd.s32 $0x800, s0;
	s4 =	sadd.s32 $0x37800, s0;
	s5 =	sadd.s32 $0x2D800, s0  }
0x7: {  	s11 =	sshll.u32 s12, $0x1;
	s14 =	sshll.u32 s12, $0x6;
	_ =	strace $0x80000047  }
0x8: {  	s8 =	smul.u32 $0x168000, s7;
	s10 =	ssub.s32 $0x2, s7;
	s7 =	sor.u32 s7, s11  }
0x9: {  	s9 =	sshrl.u32 s6, $0x3;
	s13 =	sshrl.u32 s10, $0x1;
	s11 =	smul.u32 $0x500, s7  }
0xa: {  	s1 =	sadd.s32 s6, s1;
	s16 =	smul.u32 $0x50, s7;
	s9 =	sadd.s32 s9, s0  }
0xb: {  	s8 =	sadd.s32 s6, s8;
	s10 =	ssub.s32 s10, s13;
	[dreg:$0x7] =	wrdreg s1  }
0xc: {  	s8 =	sshrl.u32 s8, $0x3;
	s15 =	sadd.s32 $0x41800, s9;
	s17 =	sadd.s32 s4, s11  }
0xd: {  	s18 =	sor.u32 $0x10, s11;
	s19 =	sadd.s32 s5, s11;
	s21 =	sor.u32 $0x20, s11  }
0xe: {  	s23 =	sor.u32 $0x4, s16;
	s24 =	sor.u32 $0x5, s16;
	[dreg:$0x8] =	wrdreg s15  }
0xf: {  	s25 =	sor.u32 $0x30, s11;
	s26 =	sor.u32 $0x6, s16;
	[dreg:$0x9] =	wrdreg s17  }
0x10: {  	s1 =	sor.u32 $0x7, s16;
	s9 =	simm.s32 $0x0;
	[dreg:$0xa] =	wrdreg s19  }
0x11: {  	s0 =	sadd.s32 s8, s0;
	s8 =	sor.u32 $0x1C07, s14;
	[dreg:$0x3] =	wrdreg s23  }
0x12: {  	s20 =	sadd.s32 s4, s18;
	s6 =	sadd.s32 s5, s18;
	[dreg:$0x4] =	wrdreg s24  }
0x13: {  	s22 =	sadd.s32 s4, s21;
	s7 =	sadd.s32 s5, s21;
	[dreg:$0x5] =	wrdreg s26  }
0x14: {  	s15 =	sadd.s32 s4, s25;
	s16 =	sadd.s32 s5, s25;
	[dreg:$0x6] =	wrdreg s1  }
0x15: {  	s18 =	smax.u32 s10, $0x1;
	s19 =	simm.s32 $0x7;
	[dreg:$0xb] =	wrdreg s20  }
0x16: {  	s21 =	simm.s32 $0x9200;
	s23 =	simm.s32 $0x9280;
	[dreg:$0xc] =	wrdreg s6  }
0x17: {  	s24 =	simm.s32 $0x9100;
	s25 =	simm.s32 $0x9300;
	[dreg:$0xd] =	wrdreg s22  }
0x18: {  	s26 =	simm.s32 $0x9180;
	s1 =	simm.s32 $0x5;
	[dreg:$0xe] =	wrdreg s7  }
0x19: {  	s17 =	sadd.s32 $0x6E800, s0;
	s20 =	simm.s32 $0x9000;
	s22 =	simm.s32 $0x9080  }
0x1a: {  	s0 =	simm.s32 $0x1;
	s6 =	simm.s32 $0x2;
	s7 =	simm.s32 $0x6  }
.LBB2_1:
0x1b: {  	s10 =	rddreg [dreg:$0x7]  }
0x1c: {  	s11 =	rddreg [dreg:$0x8];
	s10 =	sshrl.u32 s10, $0x3  }
0x1d: {  	[spmem:s10], [sflag:s8] =	dma.local [hbm:s11], $0x2D00  }
0x1e: {  	_ =	swait.ge [sflag:s19], $0x2D00  }
0x1f: {  	[sflag:s19] =	ssyncset.done $0x0  }
0x20: {  	[sflag:s19] =	ssyncadd.s32 $0xFFFFD300  }
0x21: {  	[bflag:$0x0] =	sbarrier.arrive $0xFFFF  }
0x22: {  	s13 =	rddreg [dreg:$0x9]  }
0x23: {  	[tilespmem:s20], [sflag:$0x3] =	stream.linear.gather [hbm4b:s13+s2], $0x80, $0x38;
	[tilespmem:$0x1FC00] =	vst v63  }
0x24: {  	s14 =	rddreg [dreg:$0xa]  }
0x25: {  	[tilespmem:s21], [sflag:$0x3] =	stream.linear.gather [hbm4b:s14+s2], $0x80, $0x38;
	[tilespmem:$0x1FC00] =	vst v63  }
0x26: {  	s12 =	rddreg [dreg:$0xb]  }
0x27: {  	[tilespmem:s22], [sflag:$0x4] =	stream.linear.gather [hbm4b:s12+s2], $0x80, $0x38;
	[tilespmem:$0x1FC00] =	vst v63  }
0x28: {  	s13 =	rddreg [dreg:$0xc]  }
0x29: {  	[tilespmem:s23], [sflag:$0x4] =	stream.linear.gather [hbm4b:s13+s2], $0x80, $0x38;
	[tilespmem:$0x1FC00] =	vst v63  }
0x2a: {  	s14 =	rddreg [dreg:$0xd]  }
0x2b: {  	[tilespmem:s24], [sflag:$0x5] =	stream.linear.gather [hbm4b:s14+s2], $0x80, $0x38;
	[tilespmem:$0x1FC00] =	vst v63  }
0x2c: {  	s12 =	rddreg [dreg:$0xe]  }
0x2d: {  	[tilespmem:s25], [sflag:$0x5] =	stream.linear.gather [hbm4b:s12+s2], $0x80, $0x38;
	[tilespmem:$0x1FC00] =	vst v63  }
0x2e: {  	_ = 	snop  }
0x2f: {  	[tilespmem:s26], [sflag:$0x6] =	stream.linear.gather [hbm4b:s15+s2], $0x80, $0x38;
	[tilespmem:$0x1FC00] =	vst v63  }
0x30: {  	_ = 	snop  }
0x31: {  	[tilespmem:s28], [sflag:$0x6] =	stream.linear.gather [hbm4b:s16+s2], $0x80, $0x38;
	[tilespmem:$0x1FC00] =	vst v63  }
0x32: {  	_ =	swait.ge [sflag:s29], $0x80  }
0x33: {  	[sflag:s29] =	ssyncset.done $0x0  }
0x34: {  	[sflag:s29] =	ssyncadd.s32 $0xFFFFFF80  }
0x35: {  	_ =	swait.ge [sflag:s29], $0x80  }
0x36: {  	[sflag:s29] =	ssyncset.done $0x0  }
0x37: {  	[sflag:s29] =	ssyncadd.s32 $0xFFFFFF80  }
0x38: {  	[tilespmem:s2], [sflag:$0x1] =	stream.linear.gather [hbm4b:s3+s2], $0x4800, $0x38;
	[tilespmem:$0x1FC00] =	vst v63  }
0x39: {  	_ =	swait.ge [sflag:s30], $0x80  }
0x3a: {  	[sflag:s30] =	ssyncset.done $0x0  }
0x3b: {  	[sflag:s30] =	ssyncadd.s32 $0xFFFFFF80  }
0x3c: {  	_ =	swait.ge [sflag:s30], $0x80  }
0x3d: {  	[sflag:s30] =	ssyncset.done $0x0  }
0x3e: {  	[sflag:s30] =	ssyncadd.s32 $0xFFFFFF80  }
0x3f: {  	[tilespmem:s31], [sflag:$0x2] =	stream.linear.gather [hbm4b:s3+s2], $0x4800, $0x38;
	[tilespmem:$0x1FC00] =	vst v63  }
0x40: {  	_ =	swait.ge [sflag:s0], $0x4800  }
0x41: {  	[sflag:s0] =	ssyncset.done $0x0  }
0x42: {  	[sflag:s0] =	ssyncadd.s32 $0xFFFFB800  }
0x43: {  	_ =	swait.ge [sflag:s1], $0x80  }
0x44: {  	[sflag:s1] =	ssyncset.done $0x0  }
0x45: {  	[sflag:s1] =	ssyncadd.s32 $0xFFFFFF80  }
0x46: {  	_ =	swait.ge [sflag:s1], $0x80  }
0x47: {  	s12 =	smin.u32 s2, $0x4B;
	s13 =	rddreg [dreg:$0x3]  }
0x48: {  	[sflag:s1] =	ssyncset.done $0x0;
	s11 =	sadd.s32 s12, s13  }
0x49: {  	[sflag:s1] =	ssyncadd.s32 $0xFFFFFF80;
	s11 =	sshll.u32 s11, $0x4  }
0x4a: {  	[tilespmem:s2], [sflag:$0x1] =	stream.linear.gather [hbm4b:s3+s2], $0x4800, $0x38;
	[tilespmem:$0x1FC00] =	vst v63  }
0x4b: {  	s14 =	sadd.s32 s4, s11  }
0x4c: {  	[tilespmem:s20], [sflag:$0x3] =	stream.linear.gather [hbm4b:s14+s2], $0x80, $0x38;
	[tilespmem:$0x1FC00] =	vst v63  }
0x4d: {  	s11 =	sadd.s32 s5, s11  }
0x4e: {  	[tilespmem:s21], [sflag:$0x3] =	stream.linear.gather [hbm4b:s11+s2], $0x80, $0x38;
	[tilespmem:$0x1FC00] =	vst v63  }
0x4f: {  	_ =	swait.ge [sflag:s6], $0x4800  }
0x50: {  	[sflag:s6] =	ssyncset.done $0x0  }
0x51: {  	[sflag:s6] =	ssyncadd.s32 $0xFFFFB800  }
0x52: {  	_ =	swait.ge [sflag:s7], $0x80  }
0x53: {  	[sflag:s7] =	ssyncset.done $0x0  }
0x54: {  	[sflag:s7] =	ssyncadd.s32 $0xFFFFFF80  }
0x55: {  	_ =	swait.ge [sflag:s7], $0x80  }
0x56: {  	s13 =	smin.u32 s2, $0x4A;
	[sflag:s7] =	ssyncset.done $0x0;
	s12 =	rddreg [dreg:$0x4]  }
0x57: {  	[sflag:s7] =	ssyncadd.s32 $0xFFFFFF80;
	s11 =	sadd.s32 s13, s12  }
0x58: {  	[tilespmem:s31], [sflag:$0x2] =	stream.linear.gather [hbm4b:s3+s2], $0x4800, $0x38;
	[tilespmem:$0x1FC00] =	vst v63  }
0x59: {  	s11 =	sshll.u32 s11, $0x4  }
0x5a: {  	s14 =	sadd.s32 s4, s11  }
0x5b: {  	[tilespmem:s22], [sflag:$0x4] =	stream.linear.gather [hbm4b:s14+s2], $0x80, $0x38;
	[tilespmem:$0x1FC00] =	vst v63  }
0x5c: {  	s11 =	sadd.s32 s5, s11  }
0x5d: {  	[tilespmem:s23], [sflag:$0x4] =	stream.linear.gather [hbm4b:s11+s2], $0x80, $0x38;
	[tilespmem:$0x1FC00] =	vst v63  }
0x5e: {  	_ =	swait.ge [sflag:s0], $0x4800  }
0x5f: {  	[sflag:s0] =	ssyncset.done $0x0  }
0x60: {  	[sflag:s0] =	ssyncadd.s32 $0xFFFFB800  }
0x61: {  	_ =	swait.ge [sflag:s29], $0x80  }
0x62: {  	[sflag:s29] =	ssyncset.done $0x0  }
0x63: {  	[sflag:s29] =	ssyncadd.s32 $0xFFFFFF80  }
0x64: {  	_ =	swait.ge [sflag:s29], $0x80  }
0x65: {  	s13 =	smin.u32 s2, $0x49;
	[sflag:s29] =	ssyncset.done $0x0;
	s12 =	rddreg [dreg:$0x5]  }
0x66: {  	[sflag:s29] =	ssyncadd.s32 $0xFFFFFF80;
	s11 =	sadd.s32 s13, s12  }
0x67: {  	[tilespmem:s2], [sflag:$0x1] =	stream.linear.gather [hbm4b:s3+s2], $0x4800, $0x38;
	[tilespmem:$0x1FC00] =	vst v63  }
0x68: {  	s11 =	sshll.u32 s11, $0x4  }
0x69: {  	s14 =	sadd.s32 s4, s11  }
0x6a: {  	[tilespmem:s24], [sflag:$0x5] =	stream.linear.gather [hbm4b:s14+s2], $0x80, $0x38;
	[tilespmem:$0x1FC00] =	vst v63  }
0x6b: {  	s11 =	sadd.s32 s5, s11  }
0x6c: {  	[tilespmem:s25], [sflag:$0x5] =	stream.linear.gather [hbm4b:s11+s2], $0x80, $0x38;
	[tilespmem:$0x1FC00] =	vst v63  }
0x6d: {  	_ =	swait.ge [sflag:s6], $0x4800  }
0x6e: {  	[sflag:s6] =	ssyncset.done $0x0  }
0x6f: {  	[sflag:s6] =	ssyncadd.s32 $0xFFFFB800  }
0x70: {  	_ =	swait.ge [sflag:s30], $0x80  }
0x71: {  	[sflag:s30] =	ssyncset.done $0x0  }
0x72: {  	[sflag:s30] =	ssyncadd.s32 $0xFFFFFF80  }
0x73: {  	_ =	swait.ge [sflag:s30], $0x80  }
0x74: {  	s14 =	smin.u32 s2, $0x48;
	[sflag:s30] =	ssyncset.done $0x0;
	s13 =	rddreg [dreg:$0x6]  }
0x75: {  	[sflag:s30] =	ssyncadd.s32 $0xFFFFFF80;
	s11 =	sadd.s32 s14, s13  }
0x76: {  	[tilespmem:s31], [sflag:$0x2] =	stream.linear.gather [hbm4b:s3+s2], $0x4800, $0x38;
	[tilespmem:$0x1FC00] =	vst v63  }
0x77: {  	s13 =	sshll.u32 s11, $0x4  }
0x78: {  	s11 =	simm.s32 $0x4;
	s12 =	sadd.s32 s4, s13;
	s13 =	sadd.s32 s5, s13  }
.LBB2_2:
0x79: {  	[tilespmem:s26], [sflag:$0x6] =	stream.linear.gather [hbm4b:s12+s2], $0x80, $0x38;
	[tilespmem:$0x1FC00] =	vst v63  }
0x7a: {  	_ = 	snop  }
0x7b: {  	[tilespmem:s28], [sflag:$0x6] =	stream.linear.gather [hbm4b:s13+s2], $0x80, $0x38;
	[tilespmem:$0x1FC00] =	vst v63  }
0x7c: {  	_ =	swait.ge [sflag:s0], $0x4800  }
0x7d: {  	[sflag:s0] =	ssyncset.done $0x0  }
0x7e: {  	[sflag:s0] =	ssyncadd.s32 $0xFFFFB800  }
0x7f: {  	_ =	swait.ge [sflag:s1], $0x80  }
0x80: {  	[sflag:s1] =	ssyncset.done $0x0  }
0x81: {  	[sflag:s1] =	ssyncadd.s32 $0xFFFFFF80  }
0x82: {  	s12 =	smov.u32 s11;
	_ =	swait.ge [sflag:s1], $0x80  }
0x83: {  	s14 =	smin.u32 s12, $0x4B;
	s13 =	rddreg [dreg:$0x3]  }
0x84: {  	[sflag:s1] =	ssyncset.done $0x0;
	s13 =	sadd.s32 s14, s13  }
0x85: {  	[sflag:s1] =	ssyncadd.s32 $0xFFFFFF80;
	s13 =	sshll.u32 s13, $0x4  }
0x86: {  	[tilespmem:s2], [sflag:$0x1] =	stream.linear.gather [hbm4b:s3+s2], $0x4800, $0x38;
	[tilespmem:$0x1FC00] =	vst v63  }
0x87: {  	s14 =	sadd.s32 s4, s13  }
0x88: {  	[tilespmem:s20], [sflag:$0x3] =	stream.linear.gather [hbm4b:s14+s2], $0x80, $0x38;
	[tilespmem:$0x1FC00] =	vst v63  }
0x89: {  	s13 =	sadd.s32 s5, s13  }
0x8a: {  	[tilespmem:s21], [sflag:$0x3] =	stream.linear.gather [hbm4b:s13+s2], $0x80, $0x38;
	[tilespmem:$0x1FC00] =	vst v63  }
0x8b: {  	_ =	swait.ge [sflag:s6], $0x4800  }
0x8c: {  	[sflag:s6] =	ssyncset.done $0x0  }
0x8d: {  	[sflag:s6] =	ssyncadd.s32 $0xFFFFB800  }
0x8e: {  	_ =	swait.ge [sflag:s7], $0x80  }
0x8f: {  	[sflag:s7] =	ssyncset.done $0x0  }
0x90: {  	[sflag:s7] =	ssyncadd.s32 $0xFFFFFF80  }
0x91: {  	_ =	swait.ge [sflag:s7], $0x80  }
0x92: {  	s13 =	smin.u32 s12, $0x4A;
	[sflag:s7] =	ssyncset.done $0x0;
	s14 =	rddreg [dreg:$0x4]  }
0x93: {  	[sflag:s7] =	ssyncadd.s32 $0xFFFFFF80;
	s13 =	sadd.s32 s13, s14  }
0x94: {  	[tilespmem:s31], [sflag:$0x2] =	stream.linear.gather [hbm4b:s3+s2], $0x4800, $0x38;
	[tilespmem:$0x1FC00] =	vst v63  }
0x95: {  	s13 =	sshll.u32 s13, $0x4  }
0x96: {  	s14 =	sadd.s32 s4, s13  }
0x97: {  	[tilespmem:s22], [sflag:$0x4] =	stream.linear.gather [hbm4b:s14+s2], $0x80, $0x38;
	[tilespmem:$0x1FC00] =	vst v63  }
0x98: {  	s13 =	sadd.s32 s5, s13  }
0x99: {  	[tilespmem:s23], [sflag:$0x4] =	stream.linear.gather [hbm4b:s13+s2], $0x80, $0x38;
	[tilespmem:$0x1FC00] =	vst v63  }
0x9a: {  	_ =	swait.ge [sflag:s0], $0x4800  }
0x9b: {  	[sflag:s0] =	ssyncset.done $0x0  }
0x9c: {  	[sflag:s0] =	ssyncadd.s32 $0xFFFFB800  }
0x9d: {  	_ =	swait.ge [sflag:s29], $0x80  }
0x9e: {  	[sflag:s29] =	ssyncset.done $0x0  }
0x9f: {  	[sflag:s29] =	ssyncadd.s32 $0xFFFFFF80  }
0xa0: {  	_ =	swait.ge [sflag:s29], $0x80  }
0xa1: {  	s13 =	smin.u32 s12, $0x49;
	[sflag:s29] =	ssyncset.done $0x0;
	s14 =	rddreg [dreg:$0x5]  }
0xa2: {  	[sflag:s29] =	ssyncadd.s32 $0xFFFFFF80;
	s13 =	sadd.s32 s13, s14  }
0xa3: {  	[tilespmem:s2], [sflag:$0x1] =	stream.linear.gather [hbm4b:s3+s2], $0x4800, $0x38;
	[tilespmem:$0x1FC00] =	vst v63  }
0xa4: {  	s13 =	sshll.u32 s13, $0x4  }
0xa5: {  	s14 =	sadd.s32 s4, s13  }
0xa6: {  	[tilespmem:s24], [sflag:$0x5] =	stream.linear.gather [hbm4b:s14+s2], $0x80, $0x38;
	[tilespmem:$0x1FC00] =	vst v63  }
0xa7: {  	s13 =	sadd.s32 s5, s13  }
0xa8: {  	[tilespmem:s25], [sflag:$0x5] =	stream.linear.gather [hbm4b:s13+s2], $0x80, $0x38;
	[tilespmem:$0x1FC00] =	vst v63  }
0xa9: {  	_ =	swait.ge [sflag:s6], $0x4800  }
0xaa: {  	[sflag:s6] =	ssyncset.done $0x0  }
0xab: {  	[sflag:s6] =	ssyncadd.s32 $0xFFFFB800  }
0xac: {  	_ =	swait.ge [sflag:s30], $0x80  }
0xad: {  	[sflag:s30] =	ssyncset.done $0x0  }
0xae: {  	[sflag:s30] =	ssyncadd.s32 $0xFFFFFF80  }
0xaf: {  	p0 =	sne.s32 s11, $0x4C;
	s12 =	smin.u32 s12, $0x48;
	_ =	swait.ge [sflag:s30], $0x80  }
.Ltmp0:
0xb0: {  	[sflag:s30] =	ssyncset.done $0x0;
	s14 =	rddreg [dreg:$0x6];
	(pc) =	sbr.rel @p0 .LBB2_2-.Ltmp0, $4  }
0xb1: {  	[sflag:s30] =	ssyncadd.s32 $0xFFFFFF80;
	s12 =	sadd.s32 s12, s14  }
0xb2: {  	[tilespmem:s31], [sflag:$0x2] =	stream.linear.gather [hbm4b:s3+s2], $0x4800, $0x38;
	[tilespmem:$0x1FC00] =	vst v63  }
0xb3: {  	s13 =	sshll.u32 s12, $0x4  }
0xb4: {  	s11 =	sadd.s32 $0x4, s11;
	s12 =	sadd.s32 s4, s13;
	s13 =	sadd.s32 s5, s13  }
0xb5: {  	[tilespmem:s26], [sflag:$0x6] =	stream.linear.gather [hbm4b:s12+s2], $0x80, $0x38;
	[tilespmem:$0x1FC00] =	vst v63  }
0xb6: {  	_ = 	snop  }
0xb7: {  	[tilespmem:s28], [sflag:$0x6] =	stream.linear.gather [hbm4b:s13+s2], $0x80, $0x38;
	[tilespmem:$0x1FC00] =	vst v63  }
0xb8: {  	_ =	swait.ge [sflag:s1], $0x80  }
0xb9: {  	[sflag:s1] =	ssyncset.done $0x0  }
0xba: {  	[sflag:s1] =	ssyncadd.s32 $0xFFFFFF80  }
0xbb: {  	_ =	swait.ge [sflag:s1], $0x80  }
0xbc: {  	[sflag:s1] =	ssyncset.done $0x0  }
0xbd: {  	[sflag:s1] =	ssyncadd.s32 $0xFFFFFF80  }
0xbe: {  	_ =	swait.ge [sflag:s7], $0x80  }
0xbf: {  	[sflag:s7] =	ssyncset.done $0x0  }
0xc0: {  	[sflag:s7] =	ssyncadd.s32 $0xFFFFFF80  }
0xc1: {  	_ =	swait.ge [sflag:s7], $0x80  }
0xc2: {  	[sflag:s7] =	ssyncset.done $0x0  }
0xc3: {  	[sflag:s7] =	ssyncadd.s32 $0xFFFFFF80  }
0xc4: {  	_ =	swait.ge [sflag:s0], $0x4800  }
0xc5: {  	[sflag:s0] =	ssyncset.done $0x0  }
0xc6: {  	[sflag:s0] =	ssyncadd.s32 $0xFFFFB800  }
0xc7: {  	_ =	swait.ge [sflag:s6], $0x4800  }
0xc8: {  	s9 =	sadd.s32 $0x1, s9;
	[sflag:s6] =	ssyncset.done $0x0  }
0xc9: {  	p0 =	sne.s32 s9, s18;
	[sflag:s6] =	ssyncadd.s32 $0xFFFFB800  }
.Ltmp1:
0xca: {  	[bflag:$0x0] =	sbarrier.arrive $0xFFFF;
	(pc) =	sbr.rel @p0 .LBB2_1-.Ltmp1, $4  }
0xcb: {  	[hbm:s17], [sflag:s8] =	dma.local [spmem:s10], $0x2D00  }
0xcc: {  	_ =	swait.ge [sflag:s19], $0x2D00  }
0xcd: {  	[sflag:s19] =	ssyncset.done $0x0  }
0xce: {  	[sflag:s19] =	ssyncadd.s32 $0xFFFFD300  }
0xcf: {  	_ =	sfence.sel $0x180000  }
0xd0: {  	[bflag:$0x0] =	sbarrier.arrive $0xFFFF  }
0xd1: {  	_ =	strace $0x90000047  }
0xd2: {  	s0 =	stileid.u32;
	[bflag:$0x2] =	sbarrier.arrive $0xFFFF  }
0xd3: {  	p0 =	sne.s32 s0, $0x0;
	s0 =	rddreg [dreg:$0x2]  }
0xd4: {  	s0 =	sadd.s32 @!p0 $0x100000, s0  }
0xd5: {  	[sflag:s0] =	ssyncadd.tile.s32 @!p0 $0x1;
	_ =	shalt  }
.Lfunc_end2:
_tile_overlayer_lowered:
.L_overlay_start_2:
0xd6: {  	(tag) =	ssettag $0x2  }
0xd7: {  	s0 =	rddreg [dreg:$0x0];
	s2 =	stileid.u32  }
0xd8: {  	s1 =	rddreg [dreg:$0x1];
	p0 =	sne.s32 s2, $0x0  }
0xd9: {  	s3 =	rddreg [dreg:$0x2];
	[bflag:$0x3] =	sbarrier.arrive $0xFFFF;
	s2 =	simm.s32 @!p0 $0x1C07  }
0xda: {  	[timem:s3], [sflag:s2] =	dma.local @!p0 [hbm:s0], s1  }
0xdb: {  	s0 =	simm.s32 @!p0 $0x7  }
0xdc: {  	_ =	swait.ge @!p0 [sflag:s0], s1  }
0xdd: {  	s1 =	ssub.s32 @!p0 $0x0, s1;
	[sflag:s0] =	ssyncset.done @!p0 $0x0  }
0xde: {  	[sflag:s0] =	ssyncadd.s32 @!p0 s1  }
0xdf: {  	[bflag:$0x3] =	sbarrier.arrive $0xFFFF  }
0xe0: {  	_ =	shalt  }

</sc_bundles>
